<compile_context>
chip_gen: v7x
topology: tpu7x:2x2x1
jax: 0.10.2.dev20260603
libtpu: 0.0.44.dev20260713+nightly
codegen_flags: <defaults>
</compile_context>

<pallas_src>
import functools

import jax
import jax.numpy as jnp
import numpy as np
from jax import lax
from jax.experimental import pallas as pl
from jax.experimental.pallas import tpu as pltpu
from jax.experimental.pallas import tpu_sc as plsc

_MAP = (4, 4, 8, 7, 7, 10, 9, 9, 0, 1, 1, 2, 3, 3, 5, 6, 5, 6)

_N, _D, _T, _P = 64, 256, 300, 11
_J = 18
_NC, _NS = 2, 16
_NW = _NC * _NS
_R = _N * _D
_PPW = _R // _NW

_TA = 152
_TB = _T - _TA
_RA, _RB = 19, 18
_TAILS = 5

_kk = np.arange(9 * 16)
_T0 = (_kk // _J).astype(np.int32)
_P0 = np.asarray(_MAP, np.int32)[_kk % _J]
_J0 = (_kk % _J).astype(np.int32)
_TBL = np.concatenate([_T0, _P0, _J0]).astype(np.int32)


def _sc_body(tbl_hbm, x_hbm, o_hbm, in_v, outa_v, outb_v, tbl_v,
             si0, si1, soa, sob):
    wid = lax.axis_index("s") * _NC + lax.axis_index("c")
    pltpu.sync_copy(tbl_hbm, tbl_v)
    t0 = tuple(tbl_v[pl.ds(ph * 16, 16)] for ph in range(9))
    p0 = tuple(tbl_v[pl.ds(144 + ph * 16, 16)] for ph in range(9))
    j0 = tuple(tbl_v[pl.ds(288 + ph * 16, 16)] for ph in range(9))
    half = jnp.arange(16, dtype=jnp.int32) < 8
    base = wid * _PPW

    def out_a(r):
        return o_hbm.at[r, pl.ds(0, _TA)]

    def out_b(r):
        return o_hbm.at[r, pl.ds(_TA, _TB)]

    def expand(inp, outp, rounds, with_tail):
        def round_(g, t):
            nt = []
            for ph in range(9):
                v = plsc.load_gather(inp, [t[ph], p0[ph]])
                plsc.store_scatter(outp, [t[ph], j0[ph]], v)
                nt.append(t[ph] + 8)
            return tuple(nt)

        t = lax.fori_loop(0, rounds, round_, t0)
        if with_tail:
            for ph in range(_TAILS):
                m = None if ph < _TAILS - 1 else half
                v = plsc.load_gather(inp, [t[ph], p0[ph]])
                plsc.store_scatter(outp, [t[ph], j0[ph]], v, mask=m)

    def do_plane(s_ref, r, first):
        ina = s_ref.at[pl.ds(0, _TA)]
        inb = s_ref.at[pl.ds(_TA, _TB)]

        @pl.when(jnp.logical_not(first))
        def _():
            pltpu.make_async_copy(outa_v, out_a(r), soa).wait()

        expand(ina, outa_v, _RA, False)
        pltpu.async_copy(outa_v, out_a(r), soa)

        @pl.when(jnp.logical_not(first))
        def _():
            pltpu.make_async_copy(outb_v, out_b(r), sob).wait()

        expand(inb, outb_v, _RB, True)
        pltpu.async_copy(outb_v, out_b(r), sob)

    pltpu.async_copy(x_hbm.at[base], in_v.at[0], si0)
    pltpu.async_copy(x_hbm.at[base + 1], in_v.at[1], si1)

    def body(qq, carry):
        r0 = base + 2 * qq
        r2 = jnp.minimum(r0 + 2, _R - 1)
        r3 = jnp.minimum(r0 + 3, _R - 1)

        pltpu.make_async_copy(x_hbm.at[r0], in_v.at[0], si0).wait()
        do_plane(in_v.at[0], r0, qq == 0)

        @pl.when(qq < _PPW // 2 - 1)
        def _():
            pltpu.async_copy(x_hbm.at[r2], in_v.at[0], si0)

        pltpu.make_async_copy(x_hbm.at[r0 + 1], in_v.at[1], si1).wait()
        do_plane(in_v.at[1], r0 + 1, False)

        @pl.when(qq < _PPW // 2 - 1)
        def _():
            pltpu.async_copy(x_hbm.at[r3], in_v.at[1], si1)

        return carry

    lax.fori_loop(0, _PPW // 2, body, 0)

    rl = base + _PPW - 1
    pltpu.make_async_copy(outa_v, out_a(rl), soa).wait()
    pltpu.make_async_copy(outb_v, out_b(rl), sob).wait()


_sc_expand = functools.partial(
    pl.kernel,
    out_type=jax.ShapeDtypeStruct((_R, _T, _J), jnp.float32),
    mesh=plsc.VectorSubcoreMesh(core_axis_name="c", subcore_axis_name="s"),
    scratch_types=[
        pltpu.VMEM((2, _T, _P), jnp.float32),
        pltpu.VMEM((_TA, _J), jnp.float32),
        pltpu.VMEM((_TB, _J), jnp.float32),
        pltpu.VMEM((432,), jnp.int32),
        pltpu.SemaphoreType.DMA,
        pltpu.SemaphoreType.DMA,
        pltpu.SemaphoreType.DMA,
        pltpu.SemaphoreType.DMA,
    ],
    compiler_params=pltpu.CompilerParams(
        use_tc_tiling_on_sc=True, needs_layout_passes=False
    ),
)(_sc_body)


def kernel(part):
    flat = part.reshape(_R, _T, _P)
    out = _sc_expand(jnp.asarray(_TBL), flat)
    return out.reshape(_N, _D, _T, _J)

# --- scband reference (transcript-rebuilt; emitter-appended) ---
"""Pipeline reference for scband-up-part2-joint-36945308680786 (READ-ONLY COPY).

The authoritative reference and input builder live on the scoring server;
editing this copy changes nothing except your own understanding.
"""

import jax, jax.numpy as jnp
import numpy as np

# joint j <- part MAPPING[j], derived from Up_Part2Joint index lists:
# torso[0,1]<-4, left_arm_down[2]<-8, left_arm_up[3,4]<-7, right_arm_down[5]<-10,
# right_arm_up[6,7]<-9, left_leg_up[8]<-0, left_leg_down[9,10]<-1, right_leg_up[11]<-2,
# right_leg_down[12,13]<-3, head_left[14,16]<-5, head_right[15,17]<-6
MAPPING = jnp.array([4, 4, 8, 7, 7, 10, 9, 9, 0, 1, 1, 2, 3, 3, 5, 6, 5, 6], dtype=jnp.int32)

def setup_inputs(seed: int = 0) -> dict:
    key = jax.random.key(seed)
    part = jax.random.normal(key, (64, 256, 300, 11), dtype=jnp.float32)
    return {"part": part}

def reference(part) -> jnp.ndarray:
    # Equivalent to scattering each part channel into its joint slots of an
    # (N, d, T, 18) zero tensor: every output joint is written exactly once,
    # so the scatter-overwrite is exactly a gather along the last axis.
    x = jnp.take(part, MAPPING, axis=-1)
    return x

if __name__ == "__main__":
    import jax
    _d = setup_inputs()
    print(jax.jit(kernel)(*tuple(_d.values())))

</pallas_src>

<mosaic_0001>
#map = affine_map<(d0, d1) -> (0)>
#map1 = affine_map<(d0, d1) -> (0, 0, 0)>
module attributes {stable_mosaic.version = 14 : i64} {
  func.func @_sc_body(%arg0: i32, %arg1: i32, %arg2: memref<432xi32, #tpu.memory_space<hbm>>, %arg3: memref<16384x300x11xf32, #tpu.memory_space<hbm>>, %arg4: memref<16384x300x18xf32, #tpu.memory_space<hbm>>, %arg5: memref<2x300x11xf32, #tpu.memory_space<vmem>>, %arg6: memref<152x18xf32, #tpu.memory_space<vmem>>, %arg7: memref<148x18xf32, #tpu.memory_space<vmem>>, %arg8: memref<432xi32, #tpu.memory_space<vmem>>, %arg9: memref<!tpu.dma_semaphore, #tpu.memory_space<semaphore_mem>>, %arg10: memref<!tpu.dma_semaphore, #tpu.memory_space<semaphore_mem>>, %arg11: memref<!tpu.dma_semaphore, #tpu.memory_space<semaphore_mem>>, %arg12: memref<!tpu.dma_semaphore, #tpu.memory_space<semaphore_mem>>) attributes {dimension_semantics = [#tpu.dimension_semantics<core_parallel>, #tpu.dimension_semantics<subcore_parallel>], iteration_bounds = array<i64: 2, 16>, scalar_prefetch = 0 : i64, scratch_operands = 8 : i64, tpu.core_type = #tpu.core_type<sc_vector_subcore>, window_params = [{transform_indices = #map}, {transform_indices = #map1}, {transform_indices = #map1}]} {
    %mul3A = arith.constant 2 : i32
    %mul3A_0 = arith.muli %arg1, %mul3A : i32
    %add3A = arith.addi %mul3A_0, %arg0 : i32
    "tpu.region"() ({
      %run_scoped3A = tpu.sem_alloc : memref<!tpu.dma_semaphore, #tpu.memory_space<semaphore_mem>>
      tpu.enqueue_dma source(%arg2 : memref<432xi32, #tpu.memory_space<hbm>>) target(%arg8 : memref<432xi32, #tpu.memory_space<vmem>>) target_semaphore(%run_scoped3A : memref<!tpu.dma_semaphore, #tpu.memory_space<semaphore_mem>>)
      tpu.wait_dma2 semaphore(%run_scoped3A : memref<!tpu.dma_semaphore, #tpu.memory_space<semaphore_mem>>) src(%arg2 : memref<432xi32, #tpu.memory_space<hbm>>) dst(%arg8 : memref<432xi32, #tpu.memory_space<vmem>>)
      tpu.yield
    }) : () -> ()
    %get3A = arith.constant 0 : index
    %get3A_1 = tpu.vector_load %arg8[%get3A] {strides = array<i32>} : memref<432xi32, #tpu.memory_space<vmem>>, vector<16xi32>,
    %get3A_2 = arith.constant 16 : index
    %get3A_3 = tpu.vector_load %arg8[%get3A_2] {strides = array<i32>} : memref<432xi32, #tpu.memory_space<vmem>>, vector<16xi32>,
    %get3A_4 = arith.constant 32 : index
    %get3A_5 = tpu.vector_load %arg8[%get3A_4] {strides = array<i32>} : memref<432xi32, #tpu.memory_space<vmem>>, vector<16xi32>,
    %get3A_6 = arith.constant 48 : index
    %get3A_7 = tpu.vector_load %arg8[%get3A_6] {strides = array<i32>} : memref<432xi32, #tpu.memory_space<vmem>>, vector<16xi32>,
    %get3A_8 = arith.constant 64 : index
    %get3A_9 = tpu.vector_load %arg8[%get3A_8] {strides = array<i32>} : memref<432xi32, #tpu.memory_space<vmem>>, vector<16xi32>,
    %get3A_10 = arith.constant 80 : index
    %get3A_11 = tpu.vector_load %arg8[%get3A_10] {strides = array<i32>} : memref<432xi32, #tpu.memory_space<vmem>>, vector<16xi32>,
    %get3A_12 = arith.constant 96 : index
    %get3A_13 = tpu.vector_load %arg8[%get3A_12] {strides = array<i32>} : memref<432xi32, #tpu.memory_space<vmem>>, vector<16xi32>,
    %get3A_14 = arith.constant 112 : index
    %get3A_15 = tpu.vector_load %arg8[%get3A_14] {strides = array<i32>} : memref<432xi32, #tpu.memory_space<vmem>>, vector<16xi32>,
    %get3A_16 = arith.constant 128 : index
    %get3A_17 = tpu.vector_load %arg8[%get3A_16] {strides = array<i32>} : memref<432xi32, #tpu.memory_space<vmem>>, vector<16xi32>,
    %get3A_18 = arith.constant 144 : index
    %get3A_19 = tpu.vector_load %arg8[%get3A_18] {strides = array<i32>} : memref<432xi32, #tpu.memory_space<vmem>>, vector<16xi32>,
    %get3A_20 = arith.constant 160 : index
    %get3A_21 = tpu.vector_load %arg8[%get3A_20] {strides = array<i32>} : memref<432xi32, #tpu.memory_space<vmem>>, vector<16xi32>,
    %get3A_22 = arith.constant 176 : index
    %get3A_23 = tpu.vector_load %arg8[%get3A_22] {strides = array<i32>} : memref<432xi32, #tpu.memory_space<vmem>>, vector<16xi32>,
    %get3A_24 = arith.constant 192 : index
    %get3A_25 = tpu.vector_load %arg8[%get3A_24] {strides = array<i32>} : memref<432xi32, #tpu.memory_space<vmem>>, vector<16xi32>,
    %get3A_26 = arith.constant 208 : index
    %get3A_27 = tpu.vector_load %arg8[%get3A_26] {strides = array<i32>} : memref<432xi32, #tpu.memory_space<vmem>>, vector<16xi32>,
    %get3A_28 = arith.constant 224 : index
    %get3A_29 = tpu.vector_load %arg8[%get3A_28] {strides = array<i32>} : memref<432xi32, #tpu.memory_space<vmem>>, vector<16xi32>,
    %get3A_30 = arith.constant 240 : index
    %get3A_31 = tpu.vector_load %arg8[%get3A_30] {strides = array<i32>} : memref<432xi32, #tpu.memory_space<vmem>>, vector<16xi32>,
    %get3A_32 = arith.constant 256 : index
    %get3A_33 = tpu.vector_load %arg8[%get3A_32] {strides = array<i32>} : memref<432xi32, #tpu.memory_space<vmem>>, vector<16xi32>,
    %get3A_34 = arith.constant 272 : index
    %get3A_35 = tpu.vector_load %arg8[%get3A_34] {strides = array<i32>} : memref<432xi32, #tpu.memory_space<vmem>>, vector<16xi32>,
    %get3A_36 = arith.constant 288 : index
    %get3A_37 = tpu.vector_load %arg8[%get3A_36] {strides = array<i32>} : memref<432xi32, #tpu.memory_space<vmem>>, vector<16xi32>,
    %get3A_38 = arith.constant 304 : index
    %get3A_39 = tpu.vector_load %arg8[%get3A_38] {strides = array<i32>} : memref<432xi32, #tpu.memory_space<vmem>>, vector<16xi32>,
    %get3A_40 = arith.constant 320 : index
    %get3A_41 = tpu.vector_load %arg8[%get3A_40] {strides = array<i32>} : memref<432xi32, #tpu.memory_space<vmem>>, vector<16xi32>,
    %get3A_42 = arith.constant 336 : index
    %get3A_43 = tpu.vector_load %arg8[%get3A_42] {strides = array<i32>} : memref<432xi32, #tpu.memory_space<vmem>>, vector<16xi32>,
    %get3A_44 = arith.constant 352 : index
    %get3A_45 = tpu.vector_load %arg8[%get3A_44] {strides = array<i32>} : memref<432xi32, #tpu.memory_space<vmem>>, vector<16xi32>,
    %get3A_46 = arith.constant 368 : index
    %get3A_47 = tpu.vector_load %arg8[%get3A_46] {strides = array<i32>} : memref<432xi32, #tpu.memory_space<vmem>>, vector<16xi32>,
    %get3A_48 = arith.constant 384 : index
    %get3A_49 = tpu.vector_load %arg8[%get3A_48] {strides = array<i32>} : memref<432xi32, #tpu.memory_space<vmem>>, vector<16xi32>,
    %get3A_50 = arith.constant 400 : index
    %get3A_51 = tpu.vector_load %arg8[%get3A_50] {strides = array<i32>} : memref<432xi32, #tpu.memory_space<vmem>>, vector<16xi32>,
    %get3A_52 = arith.constant 416 : index
    %get3A_53 = tpu.vector_load %arg8[%get3A_52] {strides = array<i32>} : memref<432xi32, #tpu.memory_space<vmem>>, vector<16xi32>,
    %iota3A = tpu.iota {dimensions = array<i32: 0>} : vector<16xi32>
    %lt3A = arith.constant 8 : i32
    %lt3A_54 = vector.broadcast %lt3A : i32 to vector<16xi32>
    %lt3A_55 = arith.cmpi slt, %iota3A, %lt3A_54 : vector<16xi32>
    %mul3A_56 = arith.constant 512 : i32
    %mul3A_57 = arith.muli %add3A, %mul3A_56 : i32
    %dma_start3A = arith.constant 0 : i32
    %dma_start3A_58 = arith.constant 0 : i32
    %dma_start3A_59 = arith.constant 0 : i32
    %dma_start3A_60 = tpu.memref_slice %arg5[%dma_start3A, %dma_start3A_58, %dma_start3A_59] : memref<2x300x11xf32, #tpu.memory_space<vmem>> -> memref<1x300x11xf32, #tpu.memory_space<vmem>>
    %dma_start3A_61 = tpu.memref_squeeze %dma_start3A_60 : memref<1x300x11xf32, #tpu.memory_space<vmem>> -> memref<300x11xf32, #tpu.memory_space<vmem>>
    %dma_start3A_62 = arith.constant 0 : i32
    %dma_start3A_63 = arith.constant 0 : i32
    %dma_start3A_64 = tpu.memref_slice %arg3[%mul3A_57, %dma_start3A_62, %dma_start3A_63] : memref<16384x300x11xf32, #tpu.memory_space<hbm>> -> memref<1x300x11xf32, #tpu.memory_space<hbm>>
    %dma_start3A_65 = tpu.memref_squeeze %dma_start3A_64 : memref<1x300x11xf32, #tpu.memory_space<hbm>> -> memref<300x11xf32, #tpu.memory_space<hbm>>
    %dma_start3A_66 = arith.constant 0 : i32
    %dma_start3A_67 = arith.constant 0 : i32
    %dma_start3A_68 = tpu.memref_slice %arg5[%dma_start3A, %dma_start3A_66, %dma_start3A_67] : memref<2x300x11xf32, #tpu.memory_space<vmem>> -> memref<1x300x11xf32, #tpu.memory_space<vmem>>
    %dma_start3A_69 = tpu.memref_squeeze %dma_start3A_68 : memref<1x300x11xf32, #tpu.memory_space<vmem>> -> memref<300x11xf32, #tpu.memory_space<vmem>>
    %dma_start3A_70 = arith.constant 0 : i32
    %dma_start3A_71 = arith.constant 0 : i32
    %dma_start3A_72 = tpu.memref_slice %arg3[%mul3A_57, %dma_start3A_70, %dma_start3A_71] : memref<16384x300x11xf32, #tpu.memory_space<hbm>> -> memref<1x300x11xf32, #tpu.memory_space<hbm>>
    %dma_start3A_73 = tpu.memref_squeeze %dma_start3A_72 : memref<1x300x11xf32, #tpu.memory_space<hbm>> -> memref<300x11xf32, #tpu.memory_space<hbm>>
    tpu.enqueue_dma source(%dma_start3A_73 : memref<300x11xf32, #tpu.memory_space<hbm>>) target(%dma_start3A_69 : memref<300x11xf32, #tpu.memory_space<vmem>>) target_semaphore(%arg9 : memref<!tpu.dma_semaphore, #tpu.memory_space<semaphore_mem>>)
    %add3A_74 = arith.constant 1 : i32
    %add3A_75 = arith.addi %mul3A_57, %add3A_74 : i32
    %dma_start3A_76 = arith.constant 1 : i32
    %dma_start3A_77 = arith.constant 0 : i32
    %dma_start3A_78 = arith.constant 0 : i32
    %dma_start3A_79 = tpu.memref_slice %arg5[%dma_start3A_76, %dma_start3A_77, %dma_start3A_78] : memref<2x300x11xf32, #tpu.memory_space<vmem>> -> memref<1x300x11xf32, #tpu.memory_space<vmem>>
    %dma_start3A_80 = tpu.memref_squeeze %dma_start3A_79 : memref<1x300x11xf32, #tpu.memory_space<vmem>> -> memref<300x11xf32, #tpu.memory_space<vmem>>
    %dma_start3A_81 = arith.constant 0 : i32
    %dma_start3A_82 = arith.constant 0 : i32
    %dma_start3A_83 = tpu.memref_slice %arg3[%add3A_75, %dma_start3A_81, %dma_start3A_82] : memref<16384x300x11xf32, #tpu.memory_space<hbm>> -> memref<1x300x11xf32, #tpu.memory_space<hbm>>
    %dma_start3A_84 = tpu.memref_squeeze %dma_start3A_83 : memref<1x300x11xf32, #tpu.memory_space<hbm>> -> memref<300x11xf32, #tpu.memory_space<hbm>>
    %dma_start3A_85 = arith.constant 0 : i32
    %dma_start3A_86 = arith.constant 0 : i32
    %dma_start3A_87 = tpu.memref_slice %arg5[%dma_start3A_76, %dma_start3A_85, %dma_start3A_86] : memref<2x300x11xf32, #tpu.memory_space<vmem>> -> memref<1x300x11xf32, #tpu.memory_space<vmem>>
    %dma_start3A_88 = tpu.memref_squeeze %dma_start3A_87 : memref<1x300x11xf32, #tpu.memory_space<vmem>> -> memref<300x11xf32, #tpu.memory_space<vmem>>
    %dma_start3A_89 = arith.constant 0 : i32
    %dma_start3A_90 = arith.constant 0 : i32
    %dma_start3A_91 = tpu.memref_slice %arg3[%add3A_75, %dma_start3A_89, %dma_start3A_90] : memref<16384x300x11xf32, #tpu.memory_space<hbm>> -> memref<1x300x11xf32, #tpu.memory_space<hbm>>
    %dma_start3A_92 = tpu.memref_squeeze %dma_start3A_91 : memref<1x300x11xf32, #tpu.memory_space<hbm>> -> memref<300x11xf32, #tpu.memory_space<hbm>>
    tpu.enqueue_dma source(%dma_start3A_92 : memref<300x11xf32, #tpu.memory_space<hbm>>) target(%dma_start3A_88 : memref<300x11xf32, #tpu.memory_space<vmem>>) target_semaphore(%arg10 : memref<!tpu.dma_semaphore, #tpu.memory_space<semaphore_mem>>)
    %scan3A = arith.constant 0 : i32
    %scan3A_93 = arith.constant 0 : i32
    %scan3A_94 = arith.constant 256 : i32
    %scan3A_95 = arith.addi %scan3A_93, %scan3A_94 : i32
    %scan3A_96 = arith.constant 1 : i32
    scf.for %scan3A_116 = %scan3A_93 to %scan3A_95 step %scan3A_96  : i32 {
      %mul3A_117 = arith.constant 2 : i32
      %mul3A_118 = arith.muli %mul3A_117, %scan3A_116 : i32
      %add3A_119 = arith.addi %mul3A_57, %mul3A_118 : i32
      %add3A_120 = arith.constant 2 : i32
      %add3A_121 = arith.addi %add3A_119, %add3A_120 : i32
      %min3A = arith.constant 16383 : i32
      %min3A_122 = arith.minsi %add3A_121, %min3A : i32
      %add3A_123 = arith.constant 3 : i32
      %add3A_124 = arith.addi %add3A_119, %add3A_123 : i32
      %min3A_125 = arith.constant 16383 : i32
      %min3A_126 = arith.minsi %add3A_124, %min3A_125 : i32
      %dma_wait3A_127 = arith.constant 0 : i32
      %dma_wait3A_128 = arith.constant 0 : i32
      %dma_wait3A_129 = arith.constant 0 : i32
      %dma_wait3A_130 = tpu.memref_slice %arg5[%dma_wait3A_127, %dma_wait3A_128, %dma_wait3A_129] : memref<2x300x11xf32, #tpu.memory_space<vmem>> -> memref<1x300x11xf32, #tpu.memory_space<vmem>>
      %dma_wait3A_131 = tpu.memref_squeeze %dma_wait3A_130 : memref<1x300x11xf32, #tpu.memory_space<vmem>> -> memref<300x11xf32, #tpu.memory_space<vmem>>
      %dma_wait3A_132 = arith.constant 0 : i32
      %dma_wait3A_133 = arith.constant 0 : i32
      %dma_wait3A_134 = tpu.memref_slice %arg3[%add3A_119, %dma_wait3A_132, %dma_wait3A_133] : memref<16384x300x11xf32, #tpu.memory_space<hbm>> -> memref<1x300x11xf32, #tpu.memory_space<hbm>>
      %dma_wait3A_135 = tpu.memref_squeeze %dma_wait3A_134 : memref<1x300x11xf32, #tpu.memory_space<hbm>> -> memref<300x11xf32, #tpu.memory_space<hbm>>
      %dma_wait3A_136 = arith.constant 0 : i32
      %dma_wait3A_137 = arith.constant 0 : i32
      %dma_wait3A_138 = tpu.memref_slice %arg5[%dma_wait3A_127, %dma_wait3A_136, %dma_wait3A_137] : memref<2x300x11xf32, #tpu.memory_space<vmem>> -> memref<1x300x11xf32, #tpu.memory_space<vmem>>
      %dma_wait3A_139 = tpu.memref_squeeze %dma_wait3A_138 : memref<1x300x11xf32, #tpu.memory_space<vmem>> -> memref<300x11xf32, #tpu.memory_space<vmem>>
      %dma_wait3A_140 = arith.constant 0 : i32
      %dma_wait3A_141 = arith.constant 0 : i32
      %dma_wait3A_142 = tpu.memref_slice %arg3[%add3A_119, %dma_wait3A_140, %dma_wait3A_141] : memref<16384x300x11xf32, #tpu.memory_space<hbm>> -> memref<1x300x11xf32, #tpu.memory_space<hbm>>
      %dma_wait3A_143 = tpu.memref_squeeze %dma_wait3A_142 : memref<1x300x11xf32, #tpu.memory_space<hbm>> -> memref<300x11xf32, #tpu.memory_space<hbm>>
      tpu.wait_dma2 semaphore(%arg9 : memref<!tpu.dma_semaphore, #tpu.memory_space<semaphore_mem>>) src(%dma_wait3A_143 : memref<300x11xf32, #tpu.memory_space<hbm>>) dst(%dma_wait3A_139 : memref<300x11xf32, #tpu.memory_space<vmem>>)
      %eq3A = arith.constant 0 : i32
      %eq3A_144 = arith.cmpi eq, %scan3A_116, %eq3A : i32
      %not3A = arith.constant true
      %not3A_145 = arith.xori %eq3A_144, %not3A : i1
      %convert_element_type3A = arith.extui %not3A_145 : i1 to i32
      %cond3A = arith.constant 0 : i32
      %cond3A_146 = arith.cmpi ne, %convert_element_type3A, %cond3A : i32
      scf.if %cond3A_146 {
        %dma_wait3A_344 = arith.constant 0 : i32
        %dma_wait3A_345 = arith.constant 0 : i32
        %dma_wait3A_346 = tpu.memref_slice %arg4[%add3A_119, %dma_wait3A_344, %dma_wait3A_345] : memref<16384x300x18xf32, #tpu.memory_space<hbm>> -> memref<1x152x18xf32, #tpu.memory_space<hbm>>
        %dma_wait3A_347 = tpu.memref_squeeze %dma_wait3A_346 : memref<1x152x18xf32, #tpu.memory_space<hbm>> -> memref<152x18xf32, #tpu.memory_space<hbm>>
        %dma_wait3A_348 = arith.constant 0 : i32
        %dma_wait3A_349 = arith.constant 0 : i32
        %dma_wait3A_350 = tpu.memref_slice %arg4[%add3A_119, %dma_wait3A_348, %dma_wait3A_349] : memref<16384x300x18xf32, #tpu.memory_space<hbm>> -> memref<1x152x18xf32, #tpu.memory_space<hbm>>
        %dma_wait3A_351 = tpu.memref_squeeze %dma_wait3A_350 : memref<1x152x18xf32, #tpu.memory_space<hbm>> -> memref<152x18xf32, #tpu.memory_space<hbm>>
        tpu.wait_dma2 semaphore(%arg11 : memref<!tpu.dma_semaphore, #tpu.memory_space<semaphore_mem>>) src(%arg6 : memref<152x18xf32, #tpu.memory_space<vmem>>) dst(%dma_wait3A_351 : memref<152x18xf32, #tpu.memory_space<hbm>>)
      } else {
      }
      %scan3A_147 = arith.constant 0 : i32
      %scan3A_148 = arith.constant 0 : i32
      %scan3A_149 = arith.constant 19 : i32
      %scan3A_150 = arith.addi %scan3A_148, %scan3A_149 : i32
      %scan3A_151 = arith.constant 1 : i32
      %scan3A_152:9 = scf.for %scan3A_344 = %scan3A_148 to %scan3A_150 step %scan3A_151 iter_args(%scan3A_345 = %get3A_1, %scan3A_346 = %get3A_3, %scan3A_347 = %get3A_5, %scan3A_348 = %get3A_7, %scan3A_349 = %get3A_9, %scan3A_350 = %get3A_11, %scan3A_351 = %get3A_13, %scan3A_352 = %get3A_15, %scan3A_353 = %get3A_17) -> (vector<16xi32>, vector<16xi32>, vector<16xi32>, vector<16xi32>, vector<16xi32>, vector<16xi32>, vector<16xi32>, vector<16xi32>, vector<16xi32>)  : i32 {
        %gather3A_354 = arith.constant 0 : i32
        %gather3A_355 = arith.constant 0 : i32
        %gather3A_356 = tpu.memref_slice %arg5[%scan3A_147, %gather3A_354, %gather3A_355] : memref<2x300x11xf32, #tpu.memory_space<vmem>> -> memref<1x300x11xf32, #tpu.memory_space<vmem>>
        %gather3A_357 = tpu.memref_squeeze %gather3A_356 : memref<1x300x11xf32, #tpu.memory_space<vmem>> -> memref<300x11xf32, #tpu.memory_space<vmem>>
        %gather3A_358 = arith.constant 0 : i32
        %gather3A_359 = arith.constant 0 : i32
        %gather3A_360 = tpu.memref_slice %gather3A_357[%gather3A_358, %gather3A_359] : memref<300x11xf32, #tpu.memory_space<vmem>> -> memref<152x11xf32, #tpu.memory_space<vmem>>
        %gather3A_361 = tpu.vector_load_idx %gather3A_360[%scan3A_345, %get3A_19] : memref<152x11xf32, #tpu.memory_space<vmem>>[vector<16xi32>, vector<16xi32>], vector<16xf32>,
        tpu.vector_store_idx %arg6[%scan3A_345, %get3A_37], %gather3A_361 : memref<152x18xf32, #tpu.memory_space<vmem>>[vector<16xi32>, vector<16xi32>], vector<16xf32>,
        %add3A_362 = arith.constant 8 : i32
        %add3A_363 = vector.broadcast %add3A_362 : i32 to vector<16xi32>
        %add3A_364 = arith.addi %scan3A_345, %add3A_363 : vector<16xi32>
        %gather3A_365 = arith.constant 0 : i32
        %gather3A_366 = arith.constant 0 : i32
        %gather3A_367 = tpu.memref_slice %arg5[%scan3A_147, %gather3A_365, %gather3A_366] : memref<2x300x11xf32, #tpu.memory_space<vmem>> -> memref<1x300x11xf32, #tpu.memory_space<vmem>>
        %gather3A_368 = tpu.memref_squeeze %gather3A_367 : memref<1x300x11xf32, #tpu.memory_space<vmem>> -> memref<300x11xf32, #tpu.memory_space<vmem>>
        %gather3A_369 = arith.constant 0 : i32
        %gather3A_370 = arith.constant 0 : i32
        %gather3A_371 = tpu.memref_slice %gather3A_368[%gather3A_369, %gather3A_370] : memref<300x11xf32, #tpu.memory_space<vmem>> -> memref<152x11xf32, #tpu.memory_space<vmem>>
        %gather3A_372 = tpu.vector_load_idx %gather3A_371[%scan3A_346, %get3A_21] : memref<152x11xf32, #tpu.memory_space<vmem>>[vector<16xi32>, vector<16xi32>], vector<16xf32>,
        tpu.vector_store_idx %arg6[%scan3A_346, %get3A_39], %gather3A_372 : memref<152x18xf32, #tpu.memory_space<vmem>>[vector<16xi32>, vector<16xi32>], vector<16xf32>,
        %add3A_373 = arith.constant 8 : i32
        %add3A_374 = vector.broadcast %add3A_373 : i32 to vector<16xi32>
        %add3A_375 = arith.addi %scan3A_346, %add3A_374 : vector<16xi32>
        %gather3A_376 = arith.constant 0 : i32
        %gather3A_377 = arith.constant 0 : i32
        %gather3A_378 = tpu.memref_slice %arg5[%scan3A_147, %gather3A_376, %gather3A_377] : memref<2x300x11xf32, #tpu.memory_space<vmem>> -> memref<1x300x11xf32, #tpu.memory_space<vmem>>
        %gather3A_379 = tpu.memref_squeeze %gather3A_378 : memref<1x300x11xf32, #tpu.memory_space<vmem>> -> memref<300x11xf32, #tpu.memory_space<vmem>>
        %gather3A_380 = arith.constant 0 : i32
        %gather3A_381 = arith.constant 0 : i32
        %gather3A_382 = tpu.memref_slice %gather3A_379[%gather3A_380, %gather3A_381] : memref<300x11xf32, #tpu.memory_space<vmem>> -> memref<152x11xf32, #tpu.memory_space<vmem>>
        %gather3A_383 = tpu.vector_load_idx %gather3A_382[%scan3A_347, %get3A_23] : memref<152x11xf32, #tpu.memory_space<vmem>>[vector<16xi32>, vector<16xi32>], vector<16xf32>,
        tpu.vector_store_idx %arg6[%scan3A_347, %get3A_41], %gather3A_383 : memref<152x18xf32, #tpu.memory_space<vmem>>[vector<16xi32>, vector<16xi32>], vector<16xf32>,
        %add3A_384 = arith.constant 8 : i32
        %add3A_385 = vector.broadcast %add3A_384 : i32 to vector<16xi32>
        %add3A_386 = arith.addi %scan3A_347, %add3A_385 : vector<16xi32>
        %gather3A_387 = arith.constant 0 : i32
        %gather3A_388 = arith.constant 0 : i32
        %gather3A_389 = tpu.memref_slice %arg5[%scan3A_147, %gather3A_387, %gather3A_388] : memref<2x300x11xf32, #tpu.memory_space<vmem>> -> memref<1x300x11xf32, #tpu.memory_space<vmem>>
        %gather3A_390 = tpu.memref_squeeze %gather3A_389 : memref<1x300x11xf32, #tpu.memory_space<vmem>> -> memref<300x11xf32, #tpu.memory_space<vmem>>
        %gather3A_391 = arith.constant 0 : i32
        %gather3A_392 = arith.constant 0 : i32
        %gather3A_393 = tpu.memref_slice %gather3A_390[%gather3A_391, %gather3A_392] : memref<300x11xf32, #tpu.memory_space<vmem>> -> memref<152x11xf32, #tpu.memory_space<vmem>>
        %gather3A_394 = tpu.vector_load_idx %gather3A_393[%scan3A_348, %get3A_25] : memref<152x11xf32, #tpu.memory_space<vmem>>[vector<16xi32>, vector<16xi32>], vector<16xf32>,
        tpu.vector_store_idx %arg6[%scan3A_348, %get3A_43], %gather3A_394 : memref<152x18xf32, #tpu.memory_space<vmem>>[vector<16xi32>, vector<16xi32>], vector<16xf32>,
        %add3A_395 = arith.constant 8 : i32
        %add3A_396 = vector.broadcast %add3A_395 : i32 to vector<16xi32>
        %add3A_397 = arith.addi %scan3A_348, %add3A_396 : vector<16xi32>
        %gather3A_398 = arith.constant 0 : i32
        %gather3A_399 = arith.constant 0 : i32
        %gather3A_400 = tpu.memref_slice %arg5[%scan3A_147, %gather3A_398, %gather3A_399] : memref<2x300x11xf32, #tpu.memory_space<vmem>> -> memref<1x300x11xf32, #tpu.memory_space<vmem>>
        %gather3A_401 = tpu.memref_squeeze %gather3A_400 : memref<1x300x11xf32, #tpu.memory_space<vmem>> -> memref<300x11xf32, #tpu.memory_space<vmem>>
        %gather3A_402 = arith.constant 0 : i32
        %gather3A_403 = arith.constant 0 : i32
        %gather3A_404 = tpu.memref_slice %gather3A_401[%gather3A_402, %gather3A_403] : memref<300x11xf32, #tpu.memory_space<vmem>> -> memref<152x11xf32, #tpu.memory_space<vmem>>
        %gather3A_405 = tpu.vector_load_idx %gather3A_404[%scan3A_349, %get3A_27] : memref<152x11xf32, #tpu.memory_space<vmem>>[vector<16xi32>, vector<16xi32>], vector<16xf32>,
        tpu.vector_store_idx %arg6[%scan3A_349, %get3A_45], %gather3A_405 : memref<152x18xf32, #tpu.memory_space<vmem>>[vector<16xi32>, vector<16xi32>], vector<16xf32>,
        %add3A_406 = arith.constant 8 : i32
        %add3A_407 = vector.broadcast %add3A_406 : i32 to vector<16xi32>
        %add3A_408 = arith.addi %scan3A_349, %add3A_407 : vector<16xi32>
        %gather3A_409 = arith.constant 0 : i32
        %gather3A_410 = arith.constant 0 : i32
        %gather3A_411 = tpu.memref_slice %arg5[%scan3A_147, %gather3A_409, %gather3A_410] : memref<2x300x11xf32, #tpu.memory_space<vmem>> -> memref<1x300x11xf32, #tpu.memory_space<vmem>>
        %gather3A_412 = tpu.memref_squeeze %gather3A_411 : memref<1x300x11xf32, #tpu.memory_space<vmem>> -> memref<300x11xf32, #tpu.memory_space<vmem>>
        %gather3A_413 = arith.constant 0 : i32
        %gather3A_414 = arith.constant 0 : i32
        %gather3A_415 = tpu.memref_slice %gather3A_412[%gather3A_413, %gather3A_414] : memref<300x11xf32, #tpu.memory_space<vmem>> -> memref<152x11xf32, #tpu.memory_space<vmem>>
        %gather3A_416 = tpu.vector_load_idx %gather3A_415[%scan3A_350, %get3A_29] : memref<152x11xf32, #tpu.memory_space<vmem>>[vector<16xi32>, vector<16xi32>], vector<16xf32>,
        tpu.vector_store_idx %arg6[%scan3A_350, %get3A_47], %gather3A_416 : memref<152x18xf32, #tpu.memory_space<vmem>>[vector<16xi32>, vector<16xi32>], vector<16xf32>,
        %add3A_417 = arith.constant 8 : i32
        %add3A_418 = vector.broadcast %add3A_417 : i32 to vector<16xi32>
        %add3A_419 = arith.addi %scan3A_350, %add3A_418 : vector<16xi32>
        %gather3A_420 = arith.constant 0 : i32
        %gather3A_421 = arith.constant 0 : i32
        %gather3A_422 = tpu.memref_slice %arg5[%scan3A_147, %gather3A_420, %gather3A_421] : memref<2x300x11xf32, #tpu.memory_space<vmem>> -> memref<1x300x11xf32, #tpu.memory_space<vmem>>
        %gather3A_423 = tpu.memref_squeeze %gather3A_422 : memref<1x300x11xf32, #tpu.memory_space<vmem>> -> memref<300x11xf32, #tpu.memory_space<vmem>>
        %gather3A_424 = arith.constant 0 : i32
        %gather3A_425 = arith.constant 0 : i32
        %gather3A_426 = tpu.memref_slice %gather3A_423[%gather3A_424, %gather3A_425] : memref<300x11xf32, #tpu.memory_space<vmem>> -> memref<152x11xf32, #tpu.memory_space<vmem>>
        %gather3A_427 = tpu.vector_load_idx %gather3A_426[%scan3A_351, %get3A_31] : memref<152x11xf32, #tpu.memory_space<vmem>>[vector<16xi32>, vector<16xi32>], vector<16xf32>,
        tpu.vector_store_idx %arg6[%scan3A_351, %get3A_49], %gather3A_427 : memref<152x18xf32, #tpu.memory_space<vmem>>[vector<16xi32>, vector<16xi32>], vector<16xf32>,
        %add3A_428 = arith.constant 8 : i32
        %add3A_429 = vector.broadcast %add3A_428 : i32 to vector<16xi32>
        %add3A_430 = arith.addi %scan3A_351, %add3A_429 : vector<16xi32>
        %gather3A_431 = arith.constant 0 : i32
        %gather3A_432 = arith.constant 0 : i32
        %gather3A_433 = tpu.memref_slice %arg5[%scan3A_147, %gather3A_431, %gather3A_432] : memref<2x300x11xf32, #tpu.memory_space<vmem>> -> memref<1x300x11xf32, #tpu.memory_space<vmem>>
        %gather3A_434 = tpu.memref_squeeze %gather3A_433 : memref<1x300x11xf32, #tpu.memory_space<vmem>> -> memref<300x11xf32, #tpu.memory_space<vmem>>
        %gather3A_435 = arith.constant 0 : i32
        %gather3A_436 = arith.constant 0 : i32
        %gather3A_437 = tpu.memref_slice %gather3A_434[%gather3A_435, %gather3A_436] : memref<300x11xf32, #tpu.memory_space<vmem>> -> memref<152x11xf32, #tpu.memory_space<vmem>>
        %gather3A_438 = tpu.vector_load_idx %gather3A_437[%scan3A_352, %get3A_33] : memref<152x11xf32, #tpu.memory_space<vmem>>[vector<16xi32>, vector<16xi32>], vector<16xf32>,
        tpu.vector_store_idx %arg6[%scan3A_352, %get3A_51], %gather3A_438 : memref<152x18xf32, #tpu.memory_space<vmem>>[vector<16xi32>, vector<16xi32>], vector<16xf32>,
        %add3A_439 = arith.constant 8 : i32
        %add3A_440 = vector.broadcast %add3A_439 : i32 to vector<16xi32>
        %add3A_441 = arith.addi %scan3A_352, %add3A_440 : vector<16xi32>
        %gather3A_442 = arith.constant 0 : i32
        %gather3A_443 = arith.constant 0 : i32
        %gather3A_444 = tpu.memref_slice %arg5[%scan3A_147, %gather3A_442, %gather3A_443] : memref<2x300x11xf32, #tpu.memory_space<vmem>> -> memref<1x300x11xf32, #tpu.memory_space<vmem>>
        %gather3A_445 = tpu.memref_squeeze %gather3A_444 : memref<1x300x11xf32, #tpu.memory_space<vmem>> -> memref<300x11xf32, #tpu.memory_space<vmem>>
        %gather3A_446 = arith.constant 0 : i32
        %gather3A_447 = arith.constant 0 : i32
        %gather3A_448 = tpu.memref_slice %gather3A_445[%gather3A_446, %gather3A_447] : memref<300x11xf32, #tpu.memory_space<vmem>> -> memref<152x11xf32, #tpu.memory_space<vmem>>
        %gather3A_449 = tpu.vector_load_idx %gather3A_448[%scan3A_353, %get3A_35] : memref<152x11xf32, #tpu.memory_space<vmem>>[vector<16xi32>, vector<16xi32>], vector<16xf32>,
        tpu.vector_store_idx %arg6[%scan3A_353, %get3A_53], %gather3A_449 : memref<152x18xf32, #tpu.memory_space<vmem>>[vector<16xi32>, vector<16xi32>], vector<16xf32>,
        %add3A_450 = arith.constant 8 : i32
        %add3A_451 = vector.broadcast %add3A_450 : i32 to vector<16xi32>
        %add3A_452 = arith.addi %scan3A_353, %add3A_451 : vector<16xi32>
        scf.yield %add3A_364, %add3A_375, %add3A_386, %add3A_397, %add3A_408, %add3A_419, %add3A_430, %add3A_441, %add3A_452 : vector<16xi32>, vector<16xi32>, vector<16xi32>, vector<16xi32>, vector<16xi32>, vector<16xi32>, vector<16xi32>, vector<16xi32>, vector<16xi32>
      }
      %scan3A_153 = arith.constant 19 : i32
      %dma_start3A_154 = arith.constant 0 : i32
      %dma_start3A_155 = arith.constant 0 : i32
      %dma_start3A_156 = tpu.memref_slice %arg4[%add3A_119, %dma_start3A_154, %dma_start3A_155] : memref<16384x300x18xf32, #tpu.memory_space<hbm>> -> memref<1x152x18xf32, #tpu.memory_space<hbm>>
      %dma_start3A_157 = tpu.memref_squeeze %dma_start3A_156 : memref<1x152x18xf32, #tpu.memory_space<hbm>> -> memref<152x18xf32, #tpu.memory_space<hbm>>
      %dma_start3A_158 = arith.constant 0 : i32
      %dma_start3A_159 = arith.constant 0 : i32
      %dma_start3A_160 = tpu.memref_slice %arg4[%add3A_119, %dma_start3A_158, %dma_start3A_159] : memref<16384x300x18xf32, #tpu.memory_space<hbm>> -> memref<1x152x18xf32, #tpu.memory_space<hbm>>
      %dma_start3A_161 = tpu.memref_squeeze %dma_start3A_160 : memref<1x152x18xf32, #tpu.memory_space<hbm>> -> memref<152x18xf32, #tpu.memory_space<hbm>>
      tpu.enqueue_dma source(%arg6 : memref<152x18xf32, #tpu.memory_space<vmem>>) target(%dma_start3A_161 : memref<152x18xf32, #tpu.memory_space<hbm>>) target_semaphore(%arg11 : memref<!tpu.dma_semaphore, #tpu.memory_space<semaphore_mem>>)
      %not3A_162 = arith.constant true
      %not3A_163 = arith.xori %eq3A_144, %not3A_162 : i1
      %convert_element_type3A_164 = arith.extui %not3A_163 : i1 to i32
      %cond3A_165 = arith.constant 0 : i32
      %cond3A_166 = arith.cmpi ne, %convert_element_type3A_164, %cond3A_165 : i32
      scf.if %cond3A_166 {
        %dma_wait3A_344 = arith.constant 152 : i32
        %dma_wait3A_345 = arith.constant 0 : i32
        %dma_wait3A_346 = tpu.memref_slice %arg4[%add3A_119, %dma_wait3A_344, %dma_wait3A_345] : memref<16384x300x18xf32, #tpu.memory_space<hbm>> -> memref<1x148x18xf32, #tpu.memory_space<hbm>>
        %dma_wait3A_347 = tpu.memref_squeeze %dma_wait3A_346 : memref<1x148x18xf32, #tpu.memory_space<hbm>> -> memref<148x18xf32, #tpu.memory_space<hbm>>
        %dma_wait3A_348 = arith.constant 152 : i32
        %dma_wait3A_349 = arith.constant 0 : i32
        %dma_wait3A_350 = tpu.memref_slice %arg4[%add3A_119, %dma_wait3A_348, %dma_wait3A_349] : memref<16384x300x18xf32, #tpu.memory_space<hbm>> -> memref<1x148x18xf32, #tpu.memory_space<hbm>>
        %dma_wait3A_351 = tpu.memref_squeeze %dma_wait3A_350 : memref<1x148x18xf32, #tpu.memory_space<hbm>> -> memref<148x18xf32, #tpu.memory_space<hbm>>
        tpu.wait_dma2 semaphore(%arg12 : memref<!tpu.dma_semaphore, #tpu.memory_space<semaphore_mem>>) src(%arg7 : memref<148x18xf32, #tpu.memory_space<vmem>>) dst(%dma_wait3A_351 : memref<148x18xf32, #tpu.memory_space<hbm>>)
      } else {
      }
      %scan3A_167 = arith.constant 0 : i32
      %scan3A_168 = arith.constant 0 : i32
      %scan3A_169 = arith.constant 18 : i32
      %scan3A_170 = arith.addi %scan3A_168, %scan3A_169 : i32
      %scan3A_171 = arith.constant 1 : i32
      %scan3A_172:9 = scf.for %scan3A_344 = %scan3A_168 to %scan3A_170 step %scan3A_171 iter_args(%scan3A_345 = %get3A_1, %scan3A_346 = %get3A_3, %scan3A_347 = %get3A_5, %scan3A_348 = %get3A_7, %scan3A_349 = %get3A_9, %scan3A_350 = %get3A_11, %scan3A_351 = %get3A_13, %scan3A_352 = %get3A_15, %scan3A_353 = %get3A_17) -> (vector<16xi32>, vector<16xi32>, vector<16xi32>, vector<16xi32>, vector<16xi32>, vector<16xi32>, vector<16xi32>, vector<16xi32>, vector<16xi32>)  : i32 {
        %gather3A_354 = arith.constant 0 : i32
        %gather3A_355 = arith.constant 0 : i32
        %gather3A_356 = tpu.memref_slice %arg5[%scan3A_167, %gather3A_354, %gather3A_355] : memref<2x300x11xf32, #tpu.memory_space<vmem>> -> memref<1x300x11xf32, #tpu.memory_space<vmem>>
        %gather3A_357 = tpu.memref_squeeze %gather3A_356 : memref<1x300x11xf32, #tpu.memory_space<vmem>> -> memref<300x11xf32, #tpu.memory_space<vmem>>
        %gather3A_358 = arith.constant 152 : i32
        %gather3A_359 = arith.constant 0 : i32
        %gather3A_360 = tpu.memref_slice %gather3A_357[%gather3A_358, %gather3A_359] : memref<300x11xf32, #tpu.memory_space<vmem>> -> memref<148x11xf32, #tpu.memory_space<vmem>>
        %gather3A_361 = tpu.vector_load_idx %gather3A_360[%scan3A_345, %get3A_19] : memref<148x11xf32, #tpu.memory_space<vmem>>[vector<16xi32>, vector<16xi32>], vector<16xf32>,
        tpu.vector_store_idx %arg7[%scan3A_345, %get3A_37], %gather3A_361 : memref<148x18xf32, #tpu.memory_space<vmem>>[vector<16xi32>, vector<16xi32>], vector<16xf32>,
        %add3A_362 = arith.constant 8 : i32
        %add3A_363 = vector.broadcast %add3A_362 : i32 to vector<16xi32>
        %add3A_364 = arith.addi %scan3A_345, %add3A_363 : vector<16xi32>
        %gather3A_365 = arith.constant 0 : i32
        %gather3A_366 = arith.constant 0 : i32
        %gather3A_367 = tpu.memref_slice %arg5[%scan3A_167, %gather3A_365, %gather3A_366] : memref<2x300x11xf32, #tpu.memory_space<vmem>> -> memref<1x300x11xf32, #tpu.memory_space<vmem>>
        %gather3A_368 = tpu.memref_squeeze %gather3A_367 : memref<1x300x11xf32, #tpu.memory_space<vmem>> -> memref<300x11xf32, #tpu.memory_space<vmem>>
        %gather3A_369 = arith.constant 152 : i32
        %gather3A_370 = arith.constant 0 : i32
        %gather3A_371 = tpu.memref_slice %gather3A_368[%gather3A_369, %gather3A_370] : memref<300x11xf32, #tpu.memory_space<vmem>> -> memref<148x11xf32, #tpu.memory_space<vmem>>
        %gather3A_372 = tpu.vector_load_idx %gather3A_371[%scan3A_346, %get3A_21] : memref<148x11xf32, #tpu.memory_space<vmem>>[vector<16xi32>, vector<16xi32>], vector<16xf32>,
        tpu.vector_store_idx %arg7[%scan3A_346, %get3A_39], %gather3A_372 : memref<148x18xf32, #tpu.memory_space<vmem>>[vector<16xi32>, vector<16xi32>], vector<16xf32>,
        %add3A_373 = arith.constant 8 : i32
        %add3A_374 = vector.broadcast %add3A_373 : i32 to vector<16xi32>
        %add3A_375 = arith.addi %scan3A_346, %add3A_374 : vector<16xi32>
        %gather3A_376 = arith.constant 0 : i32
        %gather3A_377 = arith.constant 0 : i32
        %gather3A_378 = tpu.memref_slice %arg5[%scan3A_167, %gather3A_376, %gather3A_377] : memref<2x300x11xf32, #tpu.memory_space<vmem>> -> memref<1x300x11xf32, #tpu.memory_space<vmem>>
        %gather3A_379 = tpu.memref_squeeze %gather3A_378 : memref<1x300x11xf32, #tpu.memory_space<vmem>> -> memref<300x11xf32, #tpu.memory_space<vmem>>
        %gather3A_380 = arith.constant 152 : i32
        %gather3A_381 = arith.constant 0 : i32
        %gather3A_382 = tpu.memref_slice %gather3A_379[%gather3A_380, %gather3A_381] : memref<300x11xf32, #tpu.memory_space<vmem>> -> memref<148x11xf32, #tpu.memory_space<vmem>>
        %gather3A_383 = tpu.vector_load_idx %gather3A_382[%scan3A_347, %get3A_23] : memref<148x11xf32, #tpu.memory_space<vmem>>[vector<16xi32>, vector<16xi32>], vector<16xf32>,
        tpu.vector_store_idx %arg7[%scan3A_347, %get3A_41], %gather3A_383 : memref<148x18xf32, #tpu.memory_space<vmem>>[vector<16xi32>, vector<16xi32>], vector<16xf32>,
        %add3A_384 = arith.constant 8 : i32
        %add3A_385 = vector.broadcast %add3A_384 : i32 to vector<16xi32>
        %add3A_386 = arith.addi %scan3A_347, %add3A_385 : vector<16xi32>
        %gather3A_387 = arith.constant 0 : i32
        %gather3A_388 = arith.constant 0 : i32
        %gather3A_389 = tpu.memref_slice %arg5[%scan3A_167, %gather3A_387, %gather3A_388] : memref<2x300x11xf32, #tpu.memory_space<vmem>> -> memref<1x300x11xf32, #tpu.memory_space<vmem>>
        %gather3A_390 = tpu.memref_squeeze %gather3A_389 : memref<1x300x11xf32, #tpu.memory_space<vmem>> -> memref<300x11xf32, #tpu.memory_space<vmem>>
        %gather3A_391 = arith.constant 152 : i32
        %gather3A_392 = arith.constant 0 : i32
        %gather3A_393 = tpu.memref_slice %gather3A_390[%gather3A_391, %gather3A_392] : memref<300x11xf32, #tpu.memory_space<vmem>> -> memref<148x11xf32, #tpu.memory_space<vmem>>
        %gather3A_394 = tpu.vector_load_idx %gather3A_393[%scan3A_348, %get3A_25] : memref<148x11xf32, #tpu.memory_space<vmem>>[vector<16xi32>, vector<16xi32>], vector<16xf32>,
        tpu.vector_store_idx %arg7[%scan3A_348, %get3A_43], %gather3A_394 : memref<148x18xf32, #tpu.memory_space<vmem>>[vector<16xi32>, vector<16xi32>], vector<16xf32>,
        %add3A_395 = arith.constant 8 : i32
        %add3A_396 = vector.broadcast %add3A_395 : i32 to vector<16xi32>
        %add3A_397 = arith.addi %scan3A_348, %add3A_396 : vector<16xi32>
        %gather3A_398 = arith.constant 0 : i32
        %gather3A_399 = arith.constant 0 : i32
        %gather3A_400 = tpu.memref_slice %arg5[%scan3A_167, %gather3A_398, %gather3A_399] : memref<2x300x11xf32, #tpu.memory_space<vmem>> -> memref<1x300x11xf32, #tpu.memory_space<vmem>>
        %gather3A_401 = tpu.memref_squeeze %gather3A_400 : memref<1x300x11xf32, #tpu.memory_space<vmem>> -> memref<300x11xf32, #tpu.memory_space<vmem>>
        %gather3A_402 = arith.constant 152 : i32
        %gather3A_403 = arith.constant 0 : i32
        %gather3A_404 = tpu.memref_slice %gather3A_401[%gather3A_402, %gather3A_403] : memref<300x11xf32, #tpu.memory_space<vmem>> -> memref<148x11xf32, #tpu.memory_space<vmem>>
        %gather3A_405 = tpu.vector_load_idx %gather3A_404[%scan3A_349, %get3A_27] : memref<148x11xf32, #tpu.memory_space<vmem>>[vector<16xi32>, vector<16xi32>], vector<16xf32>,
        tpu.vector_store_idx %arg7[%scan3A_349, %get3A_45], %gather3A_405 : memref<148x18xf32, #tpu.memory_space<vmem>>[vector<16xi32>, vector<16xi32>], vector<16xf32>,
        %add3A_406 = arith.constant 8 : i32
        %add3A_407 = vector.broadcast %add3A_406 : i32 to vector<16xi32>
        %add3A_408 = arith.addi %scan3A_349, %add3A_407 : vector<16xi32>
        %gather3A_409 = arith.constant 0 : i32
        %gather3A_410 = arith.constant 0 : i32
        %gather3A_411 = tpu.memref_slice %arg5[%scan3A_167, %gather3A_409, %gather3A_410] : memref<2x300x11xf32, #tpu.memory_space<vmem>> -> memref<1x300x11xf32, #tpu.memory_space<vmem>>
        %gather3A_412 = tpu.memref_squeeze %gather3A_411 : memref<1x300x11xf32, #tpu.memory_space<vmem>> -> memref<300x11xf32, #tpu.memory_space<vmem>>
        %gather3A_413 = arith.constant 152 : i32
        %gather3A_414 = arith.constant 0 : i32
        %gather3A_415 = tpu.memref_slice %gather3A_412[%gather3A_413, %gather3A_414] : memref<300x11xf32, #tpu.memory_space<vmem>> -> memref<148x11xf32, #tpu.memory_space<vmem>>
        %gather3A_416 = tpu.vector_load_idx %gather3A_415[%scan3A_350, %get3A_29] : memref<148x11xf32, #tpu.memory_space<vmem>>[vector<16xi32>, vector<16xi32>], vector<16xf32>,
        tpu.vector_store_idx %arg7[%scan3A_350, %get3A_47], %gather3A_416 : memref<148x18xf32, #tpu.memory_space<vmem>>[vector<16xi32>, vector<16xi32>], vector<16xf32>,
        %add3A_417 = arith.constant 8 : i32
        %add3A_418 = vector.broadcast %add3A_417 : i32 to vector<16xi32>
        %add3A_419 = arith.addi %scan3A_350, %add3A_418 : vector<16xi32>
        %gather3A_420 = arith.constant 0 : i32
        %gather3A_421 = arith.constant 0 : i32
        %gather3A_422 = tpu.memref_slice %arg5[%scan3A_167, %gather3A_420, %gather3A_421] : memref<2x300x11xf32, #tpu.memory_space<vmem>> -> memref<1x300x11xf32, #tpu.memory_space<vmem>>
        %gather3A_423 = tpu.memref_squeeze %gather3A_422 : memref<1x300x11xf32, #tpu.memory_space<vmem>> -> memref<300x11xf32, #tpu.memory_space<vmem>>
        %gather3A_424 = arith.constant 152 : i32
        %gather3A_425 = arith.constant 0 : i32
        %gather3A_426 = tpu.memref_slice %gather3A_423[%gather3A_424, %gather3A_425] : memref<300x11xf32, #tpu.memory_space<vmem>> -> memref<148x11xf32, #tpu.memory_space<vmem>>
        %gather3A_427 = tpu.vector_load_idx %gather3A_426[%scan3A_351, %get3A_31] : memref<148x11xf32, #tpu.memory_space<vmem>>[vector<16xi32>, vector<16xi32>], vector<16xf32>,
        tpu.vector_store_idx %arg7[%scan3A_351, %get3A_49], %gather3A_427 : memref<148x18xf32, #tpu.memory_space<vmem>>[vector<16xi32>, vector<16xi32>], vector<16xf32>,
        %add3A_428 = arith.constant 8 : i32
        %add3A_429 = vector.broadcast %add3A_428 : i32 to vector<16xi32>
        %add3A_430 = arith.addi %scan3A_351, %add3A_429 : vector<16xi32>
        %gather3A_431 = arith.constant 0 : i32
        %gather3A_432 = arith.constant 0 : i32
        %gather3A_433 = tpu.memref_slice %arg5[%scan3A_167, %gather3A_431, %gather3A_432] : memref<2x300x11xf32, #tpu.memory_space<vmem>> -> memref<1x300x11xf32, #tpu.memory_space<vmem>>
        %gather3A_434 = tpu.memref_squeeze %gather3A_433 : memref<1x300x11xf32, #tpu.memory_space<vmem>> -> memref<300x11xf32, #tpu.memory_space<vmem>>
        %gather3A_435 = arith.constant 152 : i32
        %gather3A_436 = arith.constant 0 : i32
        %gather3A_437 = tpu.memref_slice %gather3A_434[%gather3A_435, %gather3A_436] : memref<300x11xf32, #tpu.memory_space<vmem>> -> memref<148x11xf32, #tpu.memory_space<vmem>>
        %gather3A_438 = tpu.vector_load_idx %gather3A_437[%scan3A_352, %get3A_33] : memref<148x11xf32, #tpu.memory_space<vmem>>[vector<16xi32>, vector<16xi32>], vector<16xf32>,
        tpu.vector_store_idx %arg7[%scan3A_352, %get3A_51], %gather3A_438 : memref<148x18xf32, #tpu.memory_space<vmem>>[vector<16xi32>, vector<16xi32>], vector<16xf32>,
        %add3A_439 = arith.constant 8 : i32
        %add3A_440 = vector.broadcast %add3A_439 : i32 to vector<16xi32>
        %add3A_441 = arith.addi %scan3A_352, %add3A_440 : vector<16xi32>
        %gather3A_442 = arith.constant 0 : i32
        %gather3A_443 = arith.constant 0 : i32
        %gather3A_444 = tpu.memref_slice %arg5[%scan3A_167, %gather3A_442, %gather3A_443] : memref<2x300x11xf32, #tpu.memory_space<vmem>> -> memref<1x300x11xf32, #tpu.memory_space<vmem>>
        %gather3A_445 = tpu.memref_squeeze %gather3A_444 : memref<1x300x11xf32, #tpu.memory_space<vmem>> -> memref<300x11xf32, #tpu.memory_space<vmem>>
        %gather3A_446 = arith.constant 152 : i32
        %gather3A_447 = arith.constant 0 : i32
        %gather3A_448 = tpu.memref_slice %gather3A_445[%gather3A_446, %gather3A_447] : memref<300x11xf32, #tpu.memory_space<vmem>> -> memref<148x11xf32, #tpu.memory_space<vmem>>
        %gather3A_449 = tpu.vector_load_idx %gather3A_448[%scan3A_353, %get3A_35] : memref<148x11xf32, #tpu.memory_space<vmem>>[vector<16xi32>, vector<16xi32>], vector<16xf32>,
        tpu.vector_store_idx %arg7[%scan3A_353, %get3A_53], %gather3A_449 : memref<148x18xf32, #tpu.memory_space<vmem>>[vector<16xi32>, vector<16xi32>], vector<16xf32>,
        %add3A_450 = arith.constant 8 : i32
        %add3A_451 = vector.broadcast %add3A_450 : i32 to vector<16xi32>
        %add3A_452 = arith.addi %scan3A_353, %add3A_451 : vector<16xi32>
        scf.yield %add3A_364, %add3A_375, %add3A_386, %add3A_397, %add3A_408, %add3A_419, %add3A_430, %add3A_441, %add3A_452 : vector<16xi32>, vector<16xi32>, vector<16xi32>, vector<16xi32>, vector<16xi32>, vector<16xi32>, vector<16xi32>, vector<16xi32>, vector<16xi32>
      }
      %scan3A_173 = arith.constant 18 : i32
      %gather3A = arith.constant 0 : i32
      %gather3A_174 = arith.constant 0 : i32
      %gather3A_175 = arith.constant 0 : i32
      %gather3A_176 = tpu.memref_slice %arg5[%gather3A, %gather3A_174, %gather3A_175] : memref<2x300x11xf32, #tpu.memory_space<vmem>> -> memref<1x300x11xf32, #tpu.memory_space<vmem>>
      %gather3A_177 = tpu.memref_squeeze %gather3A_176 : memref<1x300x11xf32, #tpu.memory_space<vmem>> -> memref<300x11xf32, #tpu.memory_space<vmem>>
      %gather3A_178 = arith.constant 152 : i32
      %gather3A_179 = arith.constant 0 : i32
      %gather3A_180 = tpu.memref_slice %gather3A_177[%gather3A_178, %gather3A_179] : memref<300x11xf32, #tpu.memory_space<vmem>> -> memref<148x11xf32, #tpu.memory_space<vmem>>
      %gather3A_181 = tpu.vector_load_idx %gather3A_180[%scan3A_172#0, %get3A_19] : memref<148x11xf32, #tpu.memory_space<vmem>>[vector<16xi32>, vector<16xi32>], vector<16xf32>,
      tpu.vector_store_idx %arg7[%scan3A_172#0, %get3A_37], %gather3A_181 : memref<148x18xf32, #tpu.memory_space<vmem>>[vector<16xi32>, vector<16xi32>], vector<16xf32>,
      %gather3A_182 = arith.constant 0 : i32
      %gather3A_183 = arith.constant 0 : i32
      %gather3A_184 = arith.constant 0 : i32
      %gather3A_185 = tpu.memref_slice %arg5[%gather3A_182, %gather3A_183, %gather3A_184] : memref<2x300x11xf32, #tpu.memory_space<vmem>> -> memref<1x300x11xf32, #tpu.memory_space<vmem>>
      %gather3A_186 = tpu.memref_squeeze %gather3A_185 : memref<1x300x11xf32, #tpu.memory_space<vmem>> -> memref<300x11xf32, #tpu.memory_space<vmem>>
      %gather3A_187 = arith.constant 152 : i32
      %gather3A_188 = arith.constant 0 : i32
      %gather3A_189 = tpu.memref_slice %gather3A_186[%gather3A_187, %gather3A_188] : memref<300x11xf32, #tpu.memory_space<vmem>> -> memref<148x11xf32, #tpu.memory_space<vmem>>
      %gather3A_190 = tpu.vector_load_idx %gather3A_189[%scan3A_172#1, %get3A_21] : memref<148x11xf32, #tpu.memory_space<vmem>>[vector<16xi32>, vector<16xi32>], vector<16xf32>,
      tpu.vector_store_idx %arg7[%scan3A_172#1, %get3A_39], %gather3A_190 : memref<148x18xf32, #tpu.memory_space<vmem>>[vector<16xi32>, vector<16xi32>], vector<16xf32>,
      %gather3A_191 = arith.constant 0 : i32
      %gather3A_192 = arith.constant 0 : i32
      %gather3A_193 = arith.constant 0 : i32
      %gather3A_194 = tpu.memref_slice %arg5[%gather3A_191, %gather3A_192, %gather3A_193] : memref<2x300x11xf32, #tpu.memory_space<vmem>> -> memref<1x300x11xf32, #tpu.memory_space<vmem>>
      %gather3A_195 = tpu.memref_squeeze %gather3A_194 : memref<1x300x11xf32, #tpu.memory_space<vmem>> -> memref<300x11xf32, #tpu.memory_space<vmem>>
      %gather3A_196 = arith.constant 152 : i32
      %gather3A_197 = arith.constant 0 : i32
      %gather3A_198 = tpu.memref_slice %gather3A_195[%gather3A_196, %gather3A_197] : memref<300x11xf32, #tpu.memory_space<vmem>> -> memref<148x11xf32, #tpu.memory_space<vmem>>
      %gather3A_199 = tpu.vector_load_idx %gather3A_198[%scan3A_172#2, %get3A_23] : memref<148x11xf32, #tpu.memory_space<vmem>>[vector<16xi32>, vector<16xi32>], vector<16xf32>,
      tpu.vector_store_idx %arg7[%scan3A_172#2, %get3A_41], %gather3A_199 : memref<148x18xf32, #tpu.memory_space<vmem>>[vector<16xi32>, vector<16xi32>], vector<16xf32>,
      %gather3A_200 = arith.constant 0 : i32
      %gather3A_201 = arith.constant 0 : i32
      %gather3A_202 = arith.constant 0 : i32
      %gather3A_203 = tpu.memref_slice %arg5[%gather3A_200, %gather3A_201, %gather3A_202] : memref<2x300x11xf32, #tpu.memory_space<vmem>> -> memref<1x300x11xf32, #tpu.memory_space<vmem>>
      %gather3A_204 = tpu.memref_squeeze %gather3A_203 : memref<1x300x11xf32, #tpu.memory_space<vmem>> -> memref<300x11xf32, #tpu.memory_space<vmem>>
      %gather3A_205 = arith.constant 152 : i32
      %gather3A_206 = arith.constant 0 : i32
      %gather3A_207 = tpu.memref_slice %gather3A_204[%gather3A_205, %gather3A_206] : memref<300x11xf32, #tpu.memory_space<vmem>> -> memref<148x11xf32, #tpu.memory_space<vmem>>
      %gather3A_208 = tpu.vector_load_idx %gather3A_207[%scan3A_172#3, %get3A_25] : memref<148x11xf32, #tpu.memory_space<vmem>>[vector<16xi32>, vector<16xi32>], vector<16xf32>,
      tpu.vector_store_idx %arg7[%scan3A_172#3, %get3A_43], %gather3A_208 : memref<148x18xf32, #tpu.memory_space<vmem>>[vector<16xi32>, vector<16xi32>], vector<16xf32>,
      %gather3A_209 = arith.constant 0 : i32
      %gather3A_210 = arith.constant 0 : i32
      %gather3A_211 = arith.constant 0 : i32
      %gather3A_212 = tpu.memref_slice %arg5[%gather3A_209, %gather3A_210, %gather3A_211] : memref<2x300x11xf32, #tpu.memory_space<vmem>> -> memref<1x300x11xf32, #tpu.memory_space<vmem>>
      %gather3A_213 = tpu.memref_squeeze %gather3A_212 : memref<1x300x11xf32, #tpu.memory_space<vmem>> -> memref<300x11xf32, #tpu.memory_space<vmem>>
      %gather3A_214 = arith.constant 152 : i32
      %gather3A_215 = arith.constant 0 : i32
      %gather3A_216 = tpu.memref_slice %gather3A_213[%gather3A_214, %gather3A_215] : memref<300x11xf32, #tpu.memory_space<vmem>> -> memref<148x11xf32, #tpu.memory_space<vmem>>
      %gather3A_217 = tpu.vector_load_idx %gather3A_216[%scan3A_172#4, %get3A_27] : memref<148x11xf32, #tpu.memory_space<vmem>>[vector<16xi32>, vector<16xi32>], vector<16xf32>,
      tpu.vector_store_idx %arg7[%scan3A_172#4, %get3A_45], %gather3A_217 masked %lt3A_55 : memref<148x18xf32, #tpu.memory_space<vmem>>[vector<16xi32>, vector<16xi32>], vector<16xf32>, vector<16xi1>
      %dma_start3A_218 = arith.constant 152 : i32
      %dma_start3A_219 = arith.constant 0 : i32
      %dma_start3A_220 = tpu.memref_slice %arg4[%add3A_119, %dma_start3A_218, %dma_start3A_219] : memref<16384x300x18xf32, #tpu.memory_space<hbm>> -> memref<1x148x18xf32, #tpu.memory_space<hbm>>
      %dma_start3A_221 = tpu.memref_squeeze %dma_start3A_220 : memref<1x148x18xf32, #tpu.memory_space<hbm>> -> memref<148x18xf32, #tpu.memory_space<hbm>>
      %dma_start3A_222 = arith.constant 152 : i32
      %dma_start3A_223 = arith.constant 0 : i32
      %dma_start3A_224 = tpu.memref_slice %arg4[%add3A_119, %dma_start3A_222, %dma_start3A_223] : memref<16384x300x18xf32, #tpu.memory_space<hbm>> -> memref<1x148x18xf32, #tpu.memory_space<hbm>>
      %dma_start3A_225 = tpu.memref_squeeze %dma_start3A_224 : memref<1x148x18xf32, #tpu.memory_space<hbm>> -> memref<148x18xf32, #tpu.memory_space<hbm>>
      tpu.enqueue_dma source(%arg7 : memref<148x18xf32, #tpu.memory_space<vmem>>) target(%dma_start3A_225 : memref<148x18xf32, #tpu.memory_space<hbm>>) target_semaphore(%arg12 : memref<!tpu.dma_semaphore, #tpu.memory_space<semaphore_mem>>)
      %lt3A_226 = arith.constant 255 : i32
      %lt3A_227 = arith.cmpi slt, %scan3A_116, %lt3A_226 : i32
      %convert_element_type3A_228 = arith.extui %lt3A_227 : i1 to i32
      %cond3A_229 = arith.constant 0 : i32
      %cond3A_230 = arith.cmpi ne, %convert_element_type3A_228, %cond3A_229 : i32
      scf.if %cond3A_230 {
        %dma_start3A_344 = arith.constant 0 : i32
        %dma_start3A_345 = arith.constant 0 : i32
        %dma_start3A_346 = arith.constant 0 : i32
        %dma_start3A_347 = tpu.memref_slice %arg5[%dma_start3A_344, %dma_start3A_345, %dma_start3A_346] : memref<2x300x11xf32, #tpu.memory_space<vmem>> -> memref<1x300x11xf32, #tpu.memory_space<vmem>>
        %dma_start3A_348 = tpu.memref_squeeze %dma_start3A_347 : memref<1x300x11xf32, #tpu.memory_space<vmem>> -> memref<300x11xf32, #tpu.memory_space<vmem>>
        %dma_start3A_349 = arith.constant 0 : i32
        %dma_start3A_350 = arith.constant 0 : i32
        %dma_start3A_351 = tpu.memref_slice %arg3[%min3A_122, %dma_start3A_349, %dma_start3A_350] : memref<16384x300x11xf32, #tpu.memory_space<hbm>> -> memref<1x300x11xf32, #tpu.memory_space<hbm>>
        %dma_start3A_352 = tpu.memref_squeeze %dma_start3A_351 : memref<1x300x11xf32, #tpu.memory_space<hbm>> -> memref<300x11xf32, #tpu.memory_space<hbm>>
        %dma_start3A_353 = arith.constant 0 : i32
        %dma_start3A_354 = arith.constant 0 : i32
        %dma_start3A_355 = tpu.memref_slice %arg5[%dma_start3A_344, %dma_start3A_353, %dma_start3A_354] : memref<2x300x11xf32, #tpu.memory_space<vmem>> -> memref<1x300x11xf32, #tpu.memory_space<vmem>>
        %dma_start3A_356 = tpu.memref_squeeze %dma_start3A_355 : memref<1x300x11xf32, #tpu.memory_space<vmem>> -> memref<300x11xf32, #tpu.memory_space<vmem>>
        %dma_start3A_357 = arith.constant 0 : i32
        %dma_start3A_358 = arith.constant 0 : i32
        %dma_start3A_359 = tpu.memref_slice %arg3[%min3A_122, %dma_start3A_357, %dma_start3A_358] : memref<16384x300x11xf32, #tpu.memory_space<hbm>> -> memref<1x300x11xf32, #tpu.memory_space<hbm>>
        %dma_start3A_360 = tpu.memref_squeeze %dma_start3A_359 : memref<1x300x11xf32, #tpu.memory_space<hbm>> -> memref<300x11xf32, #tpu.memory_space<hbm>>
        tpu.enqueue_dma source(%dma_start3A_360 : memref<300x11xf32, #tpu.memory_space<hbm>>) target(%dma_start3A_356 : memref<300x11xf32, #tpu.memory_space<vmem>>) target_semaphore(%arg9 : memref<!tpu.dma_semaphore, #tpu.memory_space<semaphore_mem>>)
      } else {
      }
      %add3A_231 = arith.constant 1 : i32
      %add3A_232 = arith.addi %add3A_119, %add3A_231 : i32
      %dma_wait3A_233 = arith.constant 1 : i32
      %dma_wait3A_234 = arith.constant 0 : i32
      %dma_wait3A_235 = arith.constant 0 : i32
      %dma_wait3A_236 = tpu.memref_slice %arg5[%dma_wait3A_233, %dma_wait3A_234, %dma_wait3A_235] : memref<2x300x11xf32, #tpu.memory_space<vmem>> -> memref<1x300x11xf32, #tpu.memory_space<vmem>>
      %dma_wait3A_237 = tpu.memref_squeeze %dma_wait3A_236 : memref<1x300x11xf32, #tpu.memory_space<vmem>> -> memref<300x11xf32, #tpu.memory_space<vmem>>
      %dma_wait3A_238 = arith.constant 0 : i32
      %dma_wait3A_239 = arith.constant 0 : i32
      %dma_wait3A_240 = tpu.memref_slice %arg3[%add3A_232, %dma_wait3A_238, %dma_wait3A_239] : memref<16384x300x11xf32, #tpu.memory_space<hbm>> -> memref<1x300x11xf32, #tpu.memory_space<hbm>>
      %dma_wait3A_241 = tpu.memref_squeeze %dma_wait3A_240 : memref<1x300x11xf32, #tpu.memory_space<hbm>> -> memref<300x11xf32, #tpu.memory_space<hbm>>
      %dma_wait3A_242 = arith.constant 0 : i32
      %dma_wait3A_243 = arith.constant 0 : i32
      %dma_wait3A_244 = tpu.memref_slice %arg5[%dma_wait3A_233, %dma_wait3A_242, %dma_wait3A_243] : memref<2x300x11xf32, #tpu.memory_space<vmem>> -> memref<1x300x11xf32, #tpu.memory_space<vmem>>
      %dma_wait3A_245 = tpu.memref_squeeze %dma_wait3A_244 : memref<1x300x11xf32, #tpu.memory_space<vmem>> -> memref<300x11xf32, #tpu.memory_space<vmem>>
      %dma_wait3A_246 = arith.constant 0 : i32
      %dma_wait3A_247 = arith.constant 0 : i32
      %dma_wait3A_248 = tpu.memref_slice %arg3[%add3A_232, %dma_wait3A_246, %dma_wait3A_247] : memref<16384x300x11xf32, #tpu.memory_space<hbm>> -> memref<1x300x11xf32, #tpu.memory_space<hbm>>
      %dma_wait3A_249 = tpu.memref_squeeze %dma_wait3A_248 : memref<1x300x11xf32, #tpu.memory_space<hbm>> -> memref<300x11xf32, #tpu.memory_space<hbm>>
      tpu.wait_dma2 semaphore(%arg10 : memref<!tpu.dma_semaphore, #tpu.memory_space<semaphore_mem>>) src(%dma_wait3A_249 : memref<300x11xf32, #tpu.memory_space<hbm>>) dst(%dma_wait3A_245 : memref<300x11xf32, #tpu.memory_space<vmem>>)
      %add3A_250 = arith.constant 1 : i32
      %add3A_251 = arith.addi %add3A_119, %add3A_250 : i32
      %not3A_252 = arith.constant false
      %not3A_253 = arith.constant true
      %not3A_254 = arith.xori %not3A_252, %not3A_253 : i1
      %convert_element_type3A_255 = arith.extui %not3A_254 : i1 to i32
      %cond3A_256 = arith.constant 0 : i32
      %cond3A_257 = arith.cmpi ne, %convert_element_type3A_255, %cond3A_256 : i32
      scf.if %cond3A_257 {
        %dma_wait3A_344 = arith.constant 0 : i32
        %dma_wait3A_345 = arith.constant 0 : i32
        %dma_wait3A_346 = tpu.memref_slice %arg4[%add3A_251, %dma_wait3A_344, %dma_wait3A_345] : memref<16384x300x18xf32, #tpu.memory_space<hbm>> -> memref<1x152x18xf32, #tpu.memory_space<hbm>>
        %dma_wait3A_347 = tpu.memref_squeeze %dma_wait3A_346 : memref<1x152x18xf32, #tpu.memory_space<hbm>> -> memref<152x18xf32, #tpu.memory_space<hbm>>
        %dma_wait3A_348 = arith.constant 0 : i32
        %dma_wait3A_349 = arith.constant 0 : i32
        %dma_wait3A_350 = tpu.memref_slice %arg4[%add3A_251, %dma_wait3A_348, %dma_wait3A_349] : memref<16384x300x18xf32, #tpu.memory_space<hbm>> -> memref<1x152x18xf32, #tpu.memory_space<hbm>>
        %dma_wait3A_351 = tpu.memref_squeeze %dma_wait3A_350 : memref<1x152x18xf32, #tpu.memory_space<hbm>> -> memref<152x18xf32, #tpu.memory_space<hbm>>
        tpu.wait_dma2 semaphore(%arg11 : memref<!tpu.dma_semaphore, #tpu.memory_space<semaphore_mem>>) src(%arg6 : memref<152x18xf32, #tpu.memory_space<vmem>>) dst(%dma_wait3A_351 : memref<152x18xf32, #tpu.memory_space<hbm>>)
      } else {
      }
      %scan3A_258 = arith.constant 1 : i32
      %scan3A_259 = arith.constant 0 : i32
      %scan3A_260 = arith.constant 19 : i32
      %scan3A_261 = arith.addi %scan3A_259, %scan3A_260 : i32
      %scan3A_262 = arith.constant 1 : i32
      %scan3A_263:9 = scf.for %scan3A_344 = %scan3A_259 to %scan3A_261 step %scan3A_262 iter_args(%scan3A_345 = %get3A_1, %scan3A_346 = %get3A_3, %scan3A_347 = %get3A_5, %scan3A_348 = %get3A_7, %scan3A_349 = %get3A_9, %scan3A_350 = %get3A_11, %scan3A_351 = %get3A_13, %scan3A_352 = %get3A_15, %scan3A_353 = %get3A_17) -> (vector<16xi32>, vector<16xi32>, vector<16xi32>, vector<16xi32>, vector<16xi32>, vector<16xi32>, vector<16xi32>, vector<16xi32>, vector<16xi32>)  : i32 {
        %gather3A_354 = arith.constant 0 : i32
        %gather3A_355 = arith.constant 0 : i32
        %gather3A_356 = tpu.memref_slice %arg5[%scan3A_258, %gather3A_354, %gather3A_355] : memref<2x300x11xf32, #tpu.memory_space<vmem>> -> memref<1x300x11xf32, #tpu.memory_space<vmem>>
        %gather3A_357 = tpu.memref_squeeze %gather3A_356 : memref<1x300x11xf32, #tpu.memory_space<vmem>> -> memref<300x11xf32, #tpu.memory_space<vmem>>
        %gather3A_358 = arith.constant 0 : i32
        %gather3A_359 = arith.constant 0 : i32
        %gather3A_360 = tpu.memref_slice %gather3A_357[%gather3A_358, %gather3A_359] : memref<300x11xf32, #tpu.memory_space<vmem>> -> memref<152x11xf32, #tpu.memory_space<vmem>>
        %gather3A_361 = tpu.vector_load_idx %gather3A_360[%scan3A_345, %get3A_19] : memref<152x11xf32, #tpu.memory_space<vmem>>[vector<16xi32>, vector<16xi32>], vector<16xf32>,
        tpu.vector_store_idx %arg6[%scan3A_345, %get3A_37], %gather3A_361 : memref<152x18xf32, #tpu.memory_space<vmem>>[vector<16xi32>, vector<16xi32>], vector<16xf32>,
        %add3A_362 = arith.constant 8 : i32
        %add3A_363 = vector.broadcast %add3A_362 : i32 to vector<16xi32>
        %add3A_364 = arith.addi %scan3A_345, %add3A_363 : vector<16xi32>
        %gather3A_365 = arith.constant 0 : i32
        %gather3A_366 = arith.constant 0 : i32
        %gather3A_367 = tpu.memref_slice %arg5[%scan3A_258, %gather3A_365, %gather3A_366] : memref<2x300x11xf32, #tpu.memory_space<vmem>> -> memref<1x300x11xf32, #tpu.memory_space<vmem>>
        %gather3A_368 = tpu.memref_squeeze %gather3A_367 : memref<1x300x11xf32, #tpu.memory_space<vmem>> -> memref<300x11xf32, #tpu.memory_space<vmem>>
        %gather3A_369 = arith.constant 0 : i32
        %gather3A_370 = arith.constant 0 : i32
        %gather3A_371 = tpu.memref_slice %gather3A_368[%gather3A_369, %gather3A_370] : memref<300x11xf32, #tpu.memory_space<vmem>> -> memref<152x11xf32, #tpu.memory_space<vmem>>
        %gather3A_372 = tpu.vector_load_idx %gather3A_371[%scan3A_346, %get3A_21] : memref<152x11xf32, #tpu.memory_space<vmem>>[vector<16xi32>, vector<16xi32>], vector<16xf32>,
        tpu.vector_store_idx %arg6[%scan3A_346, %get3A_39], %gather3A_372 : memref<152x18xf32, #tpu.memory_space<vmem>>[vector<16xi32>, vector<16xi32>], vector<16xf32>,
        %add3A_373 = arith.constant 8 : i32
        %add3A_374 = vector.broadcast %add3A_373 : i32 to vector<16xi32>
        %add3A_375 = arith.addi %scan3A_346, %add3A_374 : vector<16xi32>
        %gather3A_376 = arith.constant 0 : i32
        %gather3A_377 = arith.constant 0 : i32
        %gather3A_378 = tpu.memref_slice %arg5[%scan3A_258, %gather3A_376, %gather3A_377] : memref<2x300x11xf32, #tpu.memory_space<vmem>> -> memref<1x300x11xf32, #tpu.memory_space<vmem>>
        %gather3A_379 = tpu.memref_squeeze %gather3A_378 : memref<1x300x11xf32, #tpu.memory_space<vmem>> -> memref<300x11xf32, #tpu.memory_space<vmem>>
        %gather3A_380 = arith.constant 0 : i32
        %gather3A_381 = arith.constant 0 : i32
        %gather3A_382 = tpu.memref_slice %gather3A_379[%gather3A_380, %gather3A_381] : memref<300x11xf32, #tpu.memory_space<vmem>> -> memref<152x11xf32, #tpu.memory_space<vmem>>
        %gather3A_383 = tpu.vector_load_idx %gather3A_382[%scan3A_347, %get3A_23] : memref<152x11xf32, #tpu.memory_space<vmem>>[vector<16xi32>, vector<16xi32>], vector<16xf32>,
        tpu.vector_store_idx %arg6[%scan3A_347, %get3A_41], %gather3A_383 : memref<152x18xf32, #tpu.memory_space<vmem>>[vector<16xi32>, vector<16xi32>], vector<16xf32>,
        %add3A_384 = arith.constant 8 : i32
        %add3A_385 = vector.broadcast %add3A_384 : i32 to vector<16xi32>
        %add3A_386 = arith.addi %scan3A_347, %add3A_385 : vector<16xi32>
        %gather3A_387 = arith.constant 0 : i32
        %gather3A_388 = arith.constant 0 : i32
        %gather3A_389 = tpu.memref_slice %arg5[%scan3A_258, %gather3A_387, %gather3A_388] : memref<2x300x11xf32, #tpu.memory_space<vmem>> -> memref<1x300x11xf32, #tpu.memory_space<vmem>>
        %gather3A_390 = tpu.memref_squeeze %gather3A_389 : memref<1x300x11xf32, #tpu.memory_space<vmem>> -> memref<300x11xf32, #tpu.memory_space<vmem>>
        %gather3A_391 = arith.constant 0 : i32
        %gather3A_392 = arith.constant 0 : i32
        %gather3A_393 = tpu.memref_slice %gather3A_390[%gather3A_391, %gather3A_392] : memref<300x11xf32, #tpu.memory_space<vmem>> -> memref<152x11xf32, #tpu.memory_space<vmem>>
        %gather3A_394 = tpu.vector_load_idx %gather3A_393[%scan3A_348, %get3A_25] : memref<152x11xf32, #tpu.memory_space<vmem>>[vector<16xi32>, vector<16xi32>], vector<16xf32>,
        tpu.vector_store_idx %arg6[%scan3A_348, %get3A_43], %gather3A_394 : memref<152x18xf32, #tpu.memory_space<vmem>>[vector<16xi32>, vector<16xi32>], vector<16xf32>,
        %add3A_395 = arith.constant 8 : i32
        %add3A_396 = vector.broadcast %add3A_395 : i32 to vector<16xi32>
        %add3A_397 = arith.addi %scan3A_348, %add3A_396 : vector<16xi32>
        %gather3A_398 = arith.constant 0 : i32
        %gather3A_399 = arith.constant 0 : i32
        %gather3A_400 = tpu.memref_slice %arg5[%scan3A_258, %gather3A_398, %gather3A_399] : memref<2x300x11xf32, #tpu.memory_space<vmem>> -> memref<1x300x11xf32, #tpu.memory_space<vmem>>
        %gather3A_401 = tpu.memref_squeeze %gather3A_400 : memref<1x300x11xf32, #tpu.memory_space<vmem>> -> memref<300x11xf32, #tpu.memory_space<vmem>>
        %gather3A_402 = arith.constant 0 : i32
        %gather3A_403 = arith.constant 0 : i32
        %gather3A_404 = tpu.memref_slice %gather3A_401[%gather3A_402, %gather3A_403] : memref<300x11xf32, #tpu.memory_space<vmem>> -> memref<152x11xf32, #tpu.memory_space<vmem>>
        %gather3A_405 = tpu.vector_load_idx %gather3A_404[%scan3A_349, %get3A_27] : memref<152x11xf32, #tpu.memory_space<vmem>>[vector<16xi32>, vector<16xi32>], vector<16xf32>,
        tpu.vector_store_idx %arg6[%scan3A_349, %get3A_45], %gather3A_405 : memref<152x18xf32, #tpu.memory_space<vmem>>[vector<16xi32>, vector<16xi32>], vector<16xf32>,
        %add3A_406 = arith.constant 8 : i32
        %add3A_407 = vector.broadcast %add3A_406 : i32 to vector<16xi32>
        %add3A_408 = arith.addi %scan3A_349, %add3A_407 : vector<16xi32>
        %gather3A_409 = arith.constant 0 : i32
        %gather3A_410 = arith.constant 0 : i32
        %gather3A_411 = tpu.memref_slice %arg5[%scan3A_258, %gather3A_409, %gather3A_410] : memref<2x300x11xf32, #tpu.memory_space<vmem>> -> memref<1x300x11xf32, #tpu.memory_space<vmem>>
        %gather3A_412 = tpu.memref_squeeze %gather3A_411 : memref<1x300x11xf32, #tpu.memory_space<vmem>> -> memref<300x11xf32, #tpu.memory_space<vmem>>
        %gather3A_413 = arith.constant 0 : i32
        %gather3A_414 = arith.constant 0 : i32
        %gather3A_415 = tpu.memref_slice %gather3A_412[%gather3A_413, %gather3A_414] : memref<300x11xf32, #tpu.memory_space<vmem>> -> memref<152x11xf32, #tpu.memory_space<vmem>>
        %gather3A_416 = tpu.vector_load_idx %gather3A_415[%scan3A_350, %get3A_29] : memref<152x11xf32, #tpu.memory_space<vmem>>[vector<16xi32>, vector<16xi32>], vector<16xf32>,
        tpu.vector_store_idx %arg6[%scan3A_350, %get3A_47], %gather3A_416 : memref<152x18xf32, #tpu.memory_space<vmem>>[vector<16xi32>, vector<16xi32>], vector<16xf32>,
        %add3A_417 = arith.constant 8 : i32
        %add3A_418 = vector.broadcast %add3A_417 : i32 to vector<16xi32>
        %add3A_419 = arith.addi %scan3A_350, %add3A_418 : vector<16xi32>
        %gather3A_420 = arith.constant 0 : i32
        %gather3A_421 = arith.constant 0 : i32
        %gather3A_422 = tpu.memref_slice %arg5[%scan3A_258, %gather3A_420, %gather3A_421] : memref<2x300x11xf32, #tpu.memory_space<vmem>> -> memref<1x300x11xf32, #tpu.memory_space<vmem>>
        %gather3A_423 = tpu.memref_squeeze %gather3A_422 : memref<1x300x11xf32, #tpu.memory_space<vmem>> -> memref<300x11xf32, #tpu.memory_space<vmem>>
        %gather3A_424 = arith.constant 0 : i32
        %gather3A_425 = arith.constant 0 : i32
        %gather3A_426 = tpu.memref_slice %gather3A_423[%gather3A_424, %gather3A_425] : memref<300x11xf32, #tpu.memory_space<vmem>> -> memref<152x11xf32, #tpu.memory_space<vmem>>
        %gather3A_427 = tpu.vector_load_idx %gather3A_426[%scan3A_351, %get3A_31] : memref<152x11xf32, #tpu.memory_space<vmem>>[vector<16xi32>, vector<16xi32>], vector<16xf32>,
        tpu.vector_store_idx %arg6[%scan3A_351, %get3A_49], %gather3A_427 : memref<152x18xf32, #tpu.memory_space<vmem>>[vector<16xi32>, vector<16xi32>], vector<16xf32>,
        %add3A_428 = arith.constant 8 : i32
        %add3A_429 = vector.broadcast %add3A_428 : i32 to vector<16xi32>
        %add3A_430 = arith.addi %scan3A_351, %add3A_429 : vector<16xi32>
        %gather3A_431 = arith.constant 0 : i32
        %gather3A_432 = arith.constant 0 : i32
        %gather3A_433 = tpu.memref_slice %arg5[%scan3A_258, %gather3A_431, %gather3A_432] : memref<2x300x11xf32, #tpu.memory_space<vmem>> -> memref<1x300x11xf32, #tpu.memory_space<vmem>>
        %gather3A_434 = tpu.memref_squeeze %gather3A_433 : memref<1x300x11xf32, #tpu.memory_space<vmem>> -> memref<300x11xf32, #tpu.memory_space<vmem>>
        %gather3A_435 = arith.constant 0 : i32
        %gather3A_436 = arith.constant 0 : i32
        %gather3A_437 = tpu.memref_slice %gather3A_434[%gather3A_435, %gather3A_436] : memref<300x11xf32, #tpu.memory_space<vmem>> -> memref<152x11xf32, #tpu.memory_space<vmem>>
        %gather3A_438 = tpu.vector_load_idx %gather3A_437[%scan3A_352, %get3A_33] : memref<152x11xf32, #tpu.memory_space<vmem>>[vector<16xi32>, vector<16xi32>], vector<16xf32>,
        tpu.vector_store_idx %arg6[%scan3A_352, %get3A_51], %gather3A_438 : memref<152x18xf32, #tpu.memory_space<vmem>>[vector<16xi32>, vector<16xi32>], vector<16xf32>,
        %add3A_439 = arith.constant 8 : i32
        %add3A_440 = vector.broadcast %add3A_439 : i32 to vector<16xi32>
        %add3A_441 = arith.addi %scan3A_352, %add3A_440 : vector<16xi32>
        %gather3A_442 = arith.constant 0 : i32
        %gather3A_443 = arith.constant 0 : i32
        %gather3A_444 = tpu.memref_slice %arg5[%scan3A_258, %gather3A_442, %gather3A_443] : memref<2x300x11xf32, #tpu.memory_space<vmem>> -> memref<1x300x11xf32, #tpu.memory_space<vmem>>
        %gather3A_445 = tpu.memref_squeeze %gather3A_444 : memref<1x300x11xf32, #tpu.memory_space<vmem>> -> memref<300x11xf32, #tpu.memory_space<vmem>>
        %gather3A_446 = arith.constant 0 : i32
        %gather3A_447 = arith.constant 0 : i32
        %gather3A_448 = tpu.memref_slice %gather3A_445[%gather3A_446, %gather3A_447] : memref<300x11xf32, #tpu.memory_space<vmem>> -> memref<152x11xf32, #tpu.memory_space<vmem>>
        %gather3A_449 = tpu.vector_load_idx %gather3A_448[%scan3A_353, %get3A_35] : memref<152x11xf32, #tpu.memory_space<vmem>>[vector<16xi32>, vector<16xi32>], vector<16xf32>,
        tpu.vector_store_idx %arg6[%scan3A_353, %get3A_53], %gather3A_449 : memref<152x18xf32, #tpu.memory_space<vmem>>[vector<16xi32>, vector<16xi32>], vector<16xf32>,
        %add3A_450 = arith.constant 8 : i32
        %add3A_451 = vector.broadcast %add3A_450 : i32 to vector<16xi32>
        %add3A_452 = arith.addi %scan3A_353, %add3A_451 : vector<16xi32>
        scf.yield %add3A_364, %add3A_375, %add3A_386, %add3A_397, %add3A_408, %add3A_419, %add3A_430, %add3A_441, %add3A_452 : vector<16xi32>, vector<16xi32>, vector<16xi32>, vector<16xi32>, vector<16xi32>, vector<16xi32>, vector<16xi32>, vector<16xi32>, vector<16xi32>
      }
      %scan3A_264 = arith.constant 19 : i32
      %dma_start3A_265 = arith.constant 0 : i32
      %dma_start3A_266 = arith.constant 0 : i32
      %dma_start3A_267 = tpu.memref_slice %arg4[%add3A_251, %dma_start3A_265, %dma_start3A_266] : memref<16384x300x18xf32, #tpu.memory_space<hbm>> -> memref<1x152x18xf32, #tpu.memory_space<hbm>>
      %dma_start3A_268 = tpu.memref_squeeze %dma_start3A_267 : memref<1x152x18xf32, #tpu.memory_space<hbm>> -> memref<152x18xf32, #tpu.memory_space<hbm>>
      %dma_start3A_269 = arith.constant 0 : i32
      %dma_start3A_270 = arith.constant 0 : i32
      %dma_start3A_271 = tpu.memref_slice %arg4[%add3A_251, %dma_start3A_269, %dma_start3A_270] : memref<16384x300x18xf32, #tpu.memory_space<hbm>> -> memref<1x152x18xf32, #tpu.memory_space<hbm>>
      %dma_start3A_272 = tpu.memref_squeeze %dma_start3A_271 : memref<1x152x18xf32, #tpu.memory_space<hbm>> -> memref<152x18xf32, #tpu.memory_space<hbm>>
      tpu.enqueue_dma source(%arg6 : memref<152x18xf32, #tpu.memory_space<vmem>>) target(%dma_start3A_272 : memref<152x18xf32, #tpu.memory_space<hbm>>) target_semaphore(%arg11 : memref<!tpu.dma_semaphore, #tpu.memory_space<semaphore_mem>>)
      %not3A_273 = arith.constant false
      %not3A_274 = arith.constant true
      %not3A_275 = arith.xori %not3A_273, %not3A_274 : i1
      %convert_element_type3A_276 = arith.extui %not3A_275 : i1 to i32
      %cond3A_277 = arith.constant 0 : i32
      %cond3A_278 = arith.cmpi ne, %convert_element_type3A_276, %cond3A_277 : i32
      scf.if %cond3A_278 {
        %dma_wait3A_344 = arith.constant 152 : i32
        %dma_wait3A_345 = arith.constant 0 : i32
        %dma_wait3A_346 = tpu.memref_slice %arg4[%add3A_251, %dma_wait3A_344, %dma_wait3A_345] : memref<16384x300x18xf32, #tpu.memory_space<hbm>> -> memref<1x148x18xf32, #tpu.memory_space<hbm>>
        %dma_wait3A_347 = tpu.memref_squeeze %dma_wait3A_346 : memref<1x148x18xf32, #tpu.memory_space<hbm>> -> memref<148x18xf32, #tpu.memory_space<hbm>>
        %dma_wait3A_348 = arith.constant 152 : i32
        %dma_wait3A_349 = arith.constant 0 : i32
        %dma_wait3A_350 = tpu.memref_slice %arg4[%add3A_251, %dma_wait3A_348, %dma_wait3A_349] : memref<16384x300x18xf32, #tpu.memory_space<hbm>> -> memref<1x148x18xf32, #tpu.memory_space<hbm>>
        %dma_wait3A_351 = tpu.memref_squeeze %dma_wait3A_350 : memref<1x148x18xf32, #tpu.memory_space<hbm>> -> memref<148x18xf32, #tpu.memory_space<hbm>>
        tpu.wait_dma2 semaphore(%arg12 : memref<!tpu.dma_semaphore, #tpu.memory_space<semaphore_mem>>) src(%arg7 : memref<148x18xf32, #tpu.memory_space<vmem>>) dst(%dma_wait3A_351 : memref<148x18xf32, #tpu.memory_space<hbm>>)
      } else {
      }
      %scan3A_279 = arith.constant 1 : i32
      %scan3A_280 = arith.constant 0 : i32
      %scan3A_281 = arith.constant 18 : i32
      %scan3A_282 = arith.addi %scan3A_280, %scan3A_281 : i32
      %scan3A_283 = arith.constant 1 : i32
      %scan3A_284:9 = scf.for %scan3A_344 = %scan3A_280 to %scan3A_282 step %scan3A_283 iter_args(%scan3A_345 = %get3A_1, %scan3A_346 = %get3A_3, %scan3A_347 = %get3A_5, %scan3A_348 = %get3A_7, %scan3A_349 = %get3A_9, %scan3A_350 = %get3A_11, %scan3A_351 = %get3A_13, %scan3A_352 = %get3A_15, %scan3A_353 = %get3A_17) -> (vector<16xi32>, vector<16xi32>, vector<16xi32>, vector<16xi32>, vector<16xi32>, vector<16xi32>, vector<16xi32>, vector<16xi32>, vector<16xi32>)  : i32 {
        %gather3A_354 = arith.constant 0 : i32
        %gather3A_355 = arith.constant 0 : i32
        %gather3A_356 = tpu.memref_slice %arg5[%scan3A_279, %gather3A_354, %gather3A_355] : memref<2x300x11xf32, #tpu.memory_space<vmem>> -> memref<1x300x11xf32, #tpu.memory_space<vmem>>
        %gather3A_357 = tpu.memref_squeeze %gather3A_356 : memref<1x300x11xf32, #tpu.memory_space<vmem>> -> memref<300x11xf32, #tpu.memory_space<vmem>>
        %gather3A_358 = arith.constant 152 : i32
        %gather3A_359 = arith.constant 0 : i32
        %gather3A_360 = tpu.memref_slice %gather3A_357[%gather3A_358, %gather3A_359] : memref<300x11xf32, #tpu.memory_space<vmem>> -> memref<148x11xf32, #tpu.memory_space<vmem>>
        %gather3A_361 = tpu.vector_load_idx %gather3A_360[%scan3A_345, %get3A_19] : memref<148x11xf32, #tpu.memory_space<vmem>>[vector<16xi32>, vector<16xi32>], vector<16xf32>,
        tpu.vector_store_idx %arg7[%scan3A_345, %get3A_37], %gather3A_361 : memref<148x18xf32, #tpu.memory_space<vmem>>[vector<16xi32>, vector<16xi32>], vector<16xf32>,
        %add3A_362 = arith.constant 8 : i32
        %add3A_363 = vector.broadcast %add3A_362 : i32 to vector<16xi32>
        %add3A_364 = arith.addi %scan3A_345, %add3A_363 : vector<16xi32>
        %gather3A_365 = arith.constant 0 : i32
        %gather3A_366 = arith.constant 0 : i32
        %gather3A_367 = tpu.memref_slice %arg5[%scan3A_279, %gather3A_365, %gather3A_366] : memref<2x300x11xf32, #tpu.memory_space<vmem>> -> memref<1x300x11xf32, #tpu.memory_space<vmem>>
        %gather3A_368 = tpu.memref_squeeze %gather3A_367 : memref<1x300x11xf32, #tpu.memory_space<vmem>> -> memref<300x11xf32, #tpu.memory_space<vmem>>
        %gather3A_369 = arith.constant 152 : i32
        %gather3A_370 = arith.constant 0 : i32
        %gather3A_371 = tpu.memref_slice %gather3A_368[%gather3A_369, %gather3A_370] : memref<300x11xf32, #tpu.memory_space<vmem>> -> memref<148x11xf32, #tpu.memory_space<vmem>>
        %gather3A_372 = tpu.vector_load_idx %gather3A_371[%scan3A_346, %get3A_21] : memref<148x11xf32, #tpu.memory_space<vmem>>[vector<16xi32>, vector<16xi32>], vector<16xf32>,
        tpu.vector_store_idx %arg7[%scan3A_346, %get3A_39], %gather3A_372 : memref<148x18xf32, #tpu.memory_space<vmem>>[vector<16xi32>, vector<16xi32>], vector<16xf32>,
        %add3A_373 = arith.constant 8 : i32
        %add3A_374 = vector.broadcast %add3A_373 : i32 to vector<16xi32>
        %add3A_375 = arith.addi %scan3A_346, %add3A_374 : vector<16xi32>
        %gather3A_376 = arith.constant 0 : i32
        %gather3A_377 = arith.constant 0 : i32
        %gather3A_378 = tpu.memref_slice %arg5[%scan3A_279, %gather3A_376, %gather3A_377] : memref<2x300x11xf32, #tpu.memory_space<vmem>> -> memref<1x300x11xf32, #tpu.memory_space<vmem>>
        %gather3A_379 = tpu.memref_squeeze %gather3A_378 : memref<1x300x11xf32, #tpu.memory_space<vmem>> -> memref<300x11xf32, #tpu.memory_space<vmem>>
        %gather3A_380 = arith.constant 152 : i32
        %gather3A_381 = arith.constant 0 : i32
        %gather3A_382 = tpu.memref_slice %gather3A_379[%gather3A_380, %gather3A_381] : memref<300x11xf32, #tpu.memory_space<vmem>> -> memref<148x11xf32, #tpu.memory_space<vmem>>
        %gather3A_383 = tpu.vector_load_idx %gather3A_382[%scan3A_347, %get3A_23] : memref<148x11xf32, #tpu.memory_space<vmem>>[vector<16xi32>, vector<16xi32>], vector<16xf32>,
        tpu.vector_store_idx %arg7[%scan3A_347, %get3A_41], %gather3A_383 : memref<148x18xf32, #tpu.memory_space<vmem>>[vector<16xi32>, vector<16xi32>], vector<16xf32>,
        %add3A_384 = arith.constant 8 : i32
        %add3A_385 = vector.broadcast %add3A_384 : i32 to vector<16xi32>
        %add3A_386 = arith.addi %scan3A_347, %add3A_385 : vector<16xi32>
        %gather3A_387 = arith.constant 0 : i32
        %gather3A_388 = arith.constant 0 : i32
        %gather3A_389 = tpu.memref_slice %arg5[%scan3A_279, %gather3A_387, %gather3A_388] : memref<2x300x11xf32, #tpu.memory_space<vmem>> -> memref<1x300x11xf32, #tpu.memory_space<vmem>>
        %gather3A_390 = tpu.memref_squeeze %gather3A_389 : memref<1x300x11xf32, #tpu.memory_space<vmem>> -> memref<300x11xf32, #tpu.memory_space<vmem>>
        %gather3A_391 = arith.constant 152 : i32
        %gather3A_392 = arith.constant 0 : i32
        %gather3A_393 = tpu.memref_slice %gather3A_390[%gather3A_391, %gather3A_392] : memref<300x11xf32, #tpu.memory_space<vmem>> -> memref<148x11xf32, #tpu.memory_space<vmem>>
        %gather3A_394 = tpu.vector_load_idx %gather3A_393[%scan3A_348, %get3A_25] : memref<148x11xf32, #tpu.memory_space<vmem>>[vector<16xi32>, vector<16xi32>], vector<16xf32>,
        tpu.vector_store_idx %arg7[%scan3A_348, %get3A_43], %gather3A_394 : memref<148x18xf32, #tpu.memory_space<vmem>>[vector<16xi32>, vector<16xi32>], vector<16xf32>,
        %add3A_395 = arith.constant 8 : i32
        %add3A_396 = vector.broadcast %add3A_395 : i32 to vector<16xi32>
        %add3A_397 = arith.addi %scan3A_348, %add3A_396 : vector<16xi32>
        %gather3A_398 = arith.constant 0 : i32
        %gather3A_399 = arith.constant 0 : i32
        %gather3A_400 = tpu.memref_slice %arg5[%scan3A_279, %gather3A_398, %gather3A_399] : memref<2x300x11xf32, #tpu.memory_space<vmem>> -> memref<1x300x11xf32, #tpu.memory_space<vmem>>
        %gather3A_401 = tpu.memref_squeeze %gather3A_400 : memref<1x300x11xf32, #tpu.memory_space<vmem>> -> memref<300x11xf32, #tpu.memory_space<vmem>>
        %gather3A_402 = arith.constant 152 : i32
        %gather3A_403 = arith.constant 0 : i32
        %gather3A_404 = tpu.memref_slice %gather3A_401[%gather3A_402, %gather3A_403] : memref<300x11xf32, #tpu.memory_space<vmem>> -> memref<148x11xf32, #tpu.memory_space<vmem>>
        %gather3A_405 = tpu.vector_load_idx %gather3A_404[%scan3A_349, %get3A_27] : memref<148x11xf32, #tpu.memory_space<vmem>>[vector<16xi32>, vector<16xi32>], vector<16xf32>,
        tpu.vector_store_idx %arg7[%scan3A_349, %get3A_45], %gather3A_405 : memref<148x18xf32, #tpu.memory_space<vmem>>[vector<16xi32>, vector<16xi32>], vector<16xf32>,
        %add3A_406 = arith.constant 8 : i32
        %add3A_407 = vector.broadcast %add3A_406 : i32 to vector<16xi32>
        %add3A_408 = arith.addi %scan3A_349, %add3A_407 : vector<16xi32>
        %gather3A_409 = arith.constant 0 : i32
        %gather3A_410 = arith.constant 0 : i32
        %gather3A_411 = tpu.memref_slice %arg5[%scan3A_279, %gather3A_409, %gather3A_410] : memref<2x300x11xf32, #tpu.memory_space<vmem>> -> memref<1x300x11xf32, #tpu.memory_space<vmem>>
        %gather3A_412 = tpu.memref_squeeze %gather3A_411 : memref<1x300x11xf32, #tpu.memory_space<vmem>> -> memref<300x11xf32, #tpu.memory_space<vmem>>
        %gather3A_413 = arith.constant 152 : i32
        %gather3A_414 = arith.constant 0 : i32
        %gather3A_415 = tpu.memref_slice %gather3A_412[%gather3A_413, %gather3A_414] : memref<300x11xf32, #tpu.memory_space<vmem>> -> memref<148x11xf32, #tpu.memory_space<vmem>>
        %gather3A_416 = tpu.vector_load_idx %gather3A_415[%scan3A_350, %get3A_29] : memref<148x11xf32, #tpu.memory_space<vmem>>[vector<16xi32>, vector<16xi32>], vector<16xf32>,
        tpu.vector_store_idx %arg7[%scan3A_350, %get3A_47], %gather3A_416 : memref<148x18xf32, #tpu.memory_space<vmem>>[vector<16xi32>, vector<16xi32>], vector<16xf32>,
        %add3A_417 = arith.constant 8 : i32
        %add3A_418 = vector.broadcast %add3A_417 : i32 to vector<16xi32>
        %add3A_419 = arith.addi %scan3A_350, %add3A_418 : vector<16xi32>
        %gather3A_420 = arith.constant 0 : i32
        %gather3A_421 = arith.constant 0 : i32
        %gather3A_422 = tpu.memref_slice %arg5[%scan3A_279, %gather3A_420, %gather3A_421] : memref<2x300x11xf32, #tpu.memory_space<vmem>> -> memref<1x300x11xf32, #tpu.memory_space<vmem>>
        %gather3A_423 = tpu.memref_squeeze %gather3A_422 : memref<1x300x11xf32, #tpu.memory_space<vmem>> -> memref<300x11xf32, #tpu.memory_space<vmem>>
        %gather3A_424 = arith.constant 152 : i32
        %gather3A_425 = arith.constant 0 : i32
        %gather3A_426 = tpu.memref_slice %gather3A_423[%gather3A_424, %gather3A_425] : memref<300x11xf32, #tpu.memory_space<vmem>> -> memref<148x11xf32, #tpu.memory_space<vmem>>
        %gather3A_427 = tpu.vector_load_idx %gather3A_426[%scan3A_351, %get3A_31] : memref<148x11xf32, #tpu.memory_space<vmem>>[vector<16xi32>, vector<16xi32>], vector<16xf32>,
        tpu.vector_store_idx %arg7[%scan3A_351, %get3A_49], %gather3A_427 : memref<148x18xf32, #tpu.memory_space<vmem>>[vector<16xi32>, vector<16xi32>], vector<16xf32>,
        %add3A_428 = arith.constant 8 : i32
        %add3A_429 = vector.broadcast %add3A_428 : i32 to vector<16xi32>
        %add3A_430 = arith.addi %scan3A_351, %add3A_429 : vector<16xi32>
        %gather3A_431 = arith.constant 0 : i32
        %gather3A_432 = arith.constant 0 : i32
        %gather3A_433 = tpu.memref_slice %arg5[%scan3A_279, %gather3A_431, %gather3A_432] : memref<2x300x11xf32, #tpu.memory_space<vmem>> -> memref<1x300x11xf32, #tpu.memory_space<vmem>>
        %gather3A_434 = tpu.memref_squeeze %gather3A_433 : memref<1x300x11xf32, #tpu.memory_space<vmem>> -> memref<300x11xf32, #tpu.memory_space<vmem>>
        %gather3A_435 = arith.constant 152 : i32
        %gather3A_436 = arith.constant 0 : i32
        %gather3A_437 = tpu.memref_slice %gather3A_434[%gather3A_435, %gather3A_436] : memref<300x11xf32, #tpu.memory_space<vmem>> -> memref<148x11xf32, #tpu.memory_space<vmem>>
        %gather3A_438 = tpu.vector_load_idx %gather3A_437[%scan3A_352, %get3A_33] : memref<148x11xf32, #tpu.memory_space<vmem>>[vector<16xi32>, vector<16xi32>], vector<16xf32>,
        tpu.vector_store_idx %arg7[%scan3A_352, %get3A_51], %gather3A_438 : memref<148x18xf32, #tpu.memory_space<vmem>>[vector<16xi32>, vector<16xi32>], vector<16xf32>,
        %add3A_439 = arith.constant 8 : i32
        %add3A_440 = vector.broadcast %add3A_439 : i32 to vector<16xi32>
        %add3A_441 = arith.addi %scan3A_352, %add3A_440 : vector<16xi32>
        %gather3A_442 = arith.constant 0 : i32
        %gather3A_443 = arith.constant 0 : i32
        %gather3A_444 = tpu.memref_slice %arg5[%scan3A_279, %gather3A_442, %gather3A_443] : memref<2x300x11xf32, #tpu.memory_space<vmem>> -> memref<1x300x11xf32, #tpu.memory_space<vmem>>
        %gather3A_445 = tpu.memref_squeeze %gather3A_444 : memref<1x300x11xf32, #tpu.memory_space<vmem>> -> memref<300x11xf32, #tpu.memory_space<vmem>>
        %gather3A_446 = arith.constant 152 : i32
        %gather3A_447 = arith.constant 0 : i32
        %gather3A_448 = tpu.memref_slice %gather3A_445[%gather3A_446, %gather3A_447] : memref<300x11xf32, #tpu.memory_space<vmem>> -> memref<148x11xf32, #tpu.memory_space<vmem>>
        %gather3A_449 = tpu.vector_load_idx %gather3A_448[%scan3A_353, %get3A_35] : memref<148x11xf32, #tpu.memory_space<vmem>>[vector<16xi32>, vector<16xi32>], vector<16xf32>,
        tpu.vector_store_idx %arg7[%scan3A_353, %get3A_53], %gather3A_449 : memref<148x18xf32, #tpu.memory_space<vmem>>[vector<16xi32>, vector<16xi32>], vector<16xf32>,
        %add3A_450 = arith.constant 8 : i32
        %add3A_451 = vector.broadcast %add3A_450 : i32 to vector<16xi32>
        %add3A_452 = arith.addi %scan3A_353, %add3A_451 : vector<16xi32>
        scf.yield %add3A_364, %add3A_375, %add3A_386, %add3A_397, %add3A_408, %add3A_419, %add3A_430, %add3A_441, %add3A_452 : vector<16xi32>, vector<16xi32>, vector<16xi32>, vector<16xi32>, vector<16xi32>, vector<16xi32>, vector<16xi32>, vector<16xi32>, vector<16xi32>
      }
      %scan3A_285 = arith.constant 18 : i32
      %gather3A_286 = arith.constant 1 : i32
      %gather3A_287 = arith.constant 0 : i32
      %gather3A_288 = arith.constant 0 : i32
      %gather3A_289 = tpu.memref_slice %arg5[%gather3A_286, %gather3A_287, %gather3A_288] : memref<2x300x11xf32, #tpu.memory_space<vmem>> -> memref<1x300x11xf32, #tpu.memory_space<vmem>>
      %gather3A_290 = tpu.memref_squeeze %gather3A_289 : memref<1x300x11xf32, #tpu.memory_space<vmem>> -> memref<300x11xf32, #tpu.memory_space<vmem>>
      %gather3A_291 = arith.constant 152 : i32
      %gather3A_292 = arith.constant 0 : i32
      %gather3A_293 = tpu.memref_slice %gather3A_290[%gather3A_291, %gather3A_292] : memref<300x11xf32, #tpu.memory_space<vmem>> -> memref<148x11xf32, #tpu.memory_space<vmem>>
      %gather3A_294 = tpu.vector_load_idx %gather3A_293[%scan3A_284#0, %get3A_19] : memref<148x11xf32, #tpu.memory_space<vmem>>[vector<16xi32>, vector<16xi32>], vector<16xf32>,
      tpu.vector_store_idx %arg7[%scan3A_284#0, %get3A_37], %gather3A_294 : memref<148x18xf32, #tpu.memory_space<vmem>>[vector<16xi32>, vector<16xi32>], vector<16xf32>,
      %gather3A_295 = arith.constant 1 : i32
      %gather3A_296 = arith.constant 0 : i32
      %gather3A_297 = arith.constant 0 : i32
      %gather3A_298 = tpu.memref_slice %arg5[%gather3A_295, %gather3A_296, %gather3A_297] : memref<2x300x11xf32, #tpu.memory_space<vmem>> -> memref<1x300x11xf32, #tpu.memory_space<vmem>>
      %gather3A_299 = tpu.memref_squeeze %gather3A_298 : memref<1x300x11xf32, #tpu.memory_space<vmem>> -> memref<300x11xf32, #tpu.memory_space<vmem>>
      %gather3A_300 = arith.constant 152 : i32
      %gather3A_301 = arith.constant 0 : i32
      %gather3A_302 = tpu.memref_slice %gather3A_299[%gather3A_300, %gather3A_301] : memref<300x11xf32, #tpu.memory_space<vmem>> -> memref<148x11xf32, #tpu.memory_space<vmem>>
      %gather3A_303 = tpu.vector_load_idx %gather3A_302[%scan3A_284#1, %get3A_21] : memref<148x11xf32, #tpu.memory_space<vmem>>[vector<16xi32>, vector<16xi32>], vector<16xf32>,
      tpu.vector_store_idx %arg7[%scan3A_284#1, %get3A_39], %gather3A_303 : memref<148x18xf32, #tpu.memory_space<vmem>>[vector<16xi32>, vector<16xi32>], vector<16xf32>,
      %gather3A_304 = arith.constant 1 : i32
      %gather3A_305 = arith.constant 0 : i32
      %gather3A_306 = arith.constant 0 : i32
      %gather3A_307 = tpu.memref_slice %arg5[%gather3A_304, %gather3A_305, %gather3A_306] : memref<2x300x11xf32, #tpu.memory_space<vmem>> -> memref<1x300x11xf32, #tpu.memory_space<vmem>>
      %gather3A_308 = tpu.memref_squeeze %gather3A_307 : memref<1x300x11xf32, #tpu.memory_space<vmem>> -> memref<300x11xf32, #tpu.memory_space<vmem>>
      %gather3A_309 = arith.constant 152 : i32
      %gather3A_310 = arith.constant 0 : i32
      %gather3A_311 = tpu.memref_slice %gather3A_308[%gather3A_309, %gather3A_310] : memref<300x11xf32, #tpu.memory_space<vmem>> -> memref<148x11xf32, #tpu.memory_space<vmem>>
      %gather3A_312 = tpu.vector_load_idx %gather3A_311[%scan3A_284#2, %get3A_23] : memref<148x11xf32, #tpu.memory_space<vmem>>[vector<16xi32>, vector<16xi32>], vector<16xf32>,
      tpu.vector_store_idx %arg7[%scan3A_284#2, %get3A_41], %gather3A_312 : memref<148x18xf32, #tpu.memory_space<vmem>>[vector<16xi32>, vector<16xi32>], vector<16xf32>,
      %gather3A_313 = arith.constant 1 : i32
      %gather3A_314 = arith.constant 0 : i32
      %gather3A_315 = arith.constant 0 : i32
      %gather3A_316 = tpu.memref_slice %arg5[%gather3A_313, %gather3A_314, %gather3A_315] : memref<2x300x11xf32, #tpu.memory_space<vmem>> -> memref<1x300x11xf32, #tpu.memory_space<vmem>>
      %gather3A_317 = tpu.memref_squeeze %gather3A_316 : memref<1x300x11xf32, #tpu.memory_space<vmem>> -> memref<300x11xf32, #tpu.memory_space<vmem>>
      %gather3A_318 = arith.constant 152 : i32
      %gather3A_319 = arith.constant 0 : i32
      %gather3A_320 = tpu.memref_slice %gather3A_317[%gather3A_318, %gather3A_319] : memref<300x11xf32, #tpu.memory_space<vmem>> -> memref<148x11xf32, #tpu.memory_space<vmem>>
      %gather3A_321 = tpu.vector_load_idx %gather3A_320[%scan3A_284#3, %get3A_25] : memref<148x11xf32, #tpu.memory_space<vmem>>[vector<16xi32>, vector<16xi32>], vector<16xf32>,
      tpu.vector_store_idx %arg7[%scan3A_284#3, %get3A_43], %gather3A_321 : memref<148x18xf32, #tpu.memory_space<vmem>>[vector<16xi32>, vector<16xi32>], vector<16xf32>,
      %gather3A_322 = arith.constant 1 : i32
      %gather3A_323 = arith.constant 0 : i32
      %gather3A_324 = arith.constant 0 : i32
      %gather3A_325 = tpu.memref_slice %arg5[%gather3A_322, %gather3A_323, %gather3A_324] : memref<2x300x11xf32, #tpu.memory_space<vmem>> -> memref<1x300x11xf32, #tpu.memory_space<vmem>>
      %gather3A_326 = tpu.memref_squeeze %gather3A_325 : memref<1x300x11xf32, #tpu.memory_space<vmem>> -> memref<300x11xf32, #tpu.memory_space<vmem>>
      %gather3A_327 = arith.constant 152 : i32
      %gather3A_328 = arith.constant 0 : i32
      %gather3A_329 = tpu.memref_slice %gather3A_326[%gather3A_327, %gather3A_328] : memref<300x11xf32, #tpu.memory_space<vmem>> -> memref<148x11xf32, #tpu.memory_space<vmem>>
      %gather3A_330 = tpu.vector_load_idx %gather3A_329[%scan3A_284#4, %get3A_27] : memref<148x11xf32, #tpu.memory_space<vmem>>[vector<16xi32>, vector<16xi32>], vector<16xf32>,
      tpu.vector_store_idx %arg7[%scan3A_284#4, %get3A_45], %gather3A_330 masked %lt3A_55 : memref<148x18xf32, #tpu.memory_space<vmem>>[vector<16xi32>, vector<16xi32>], vector<16xf32>, vector<16xi1>
      %dma_start3A_331 = arith.constant 152 : i32
      %dma_start3A_332 = arith.constant 0 : i32
      %dma_start3A_333 = tpu.memref_slice %arg4[%add3A_251, %dma_start3A_331, %dma_start3A_332] : memref<16384x300x18xf32, #tpu.memory_space<hbm>> -> memref<1x148x18xf32, #tpu.memory_space<hbm>>
      %dma_start3A_334 = tpu.memref_squeeze %dma_start3A_333 : memref<1x148x18xf32, #tpu.memory_space<hbm>> -> memref<148x18xf32, #tpu.memory_space<hbm>>
      %dma_start3A_335 = arith.constant 152 : i32
      %dma_start3A_336 = arith.constant 0 : i32
      %dma_start3A_337 = tpu.memref_slice %arg4[%add3A_251, %dma_start3A_335, %dma_start3A_336] : memref<16384x300x18xf32, #tpu.memory_space<hbm>> -> memref<1x148x18xf32, #tpu.memory_space<hbm>>
      %dma_start3A_338 = tpu.memref_squeeze %dma_start3A_337 : memref<1x148x18xf32, #tpu.memory_space<hbm>> -> memref<148x18xf32, #tpu.memory_space<hbm>>
      tpu.enqueue_dma source(%arg7 : memref<148x18xf32, #tpu.memory_space<vmem>>) target(%dma_start3A_338 : memref<148x18xf32, #tpu.memory_space<hbm>>) target_semaphore(%arg12 : memref<!tpu.dma_semaphore, #tpu.memory_space<semaphore_mem>>)
      %lt3A_339 = arith.constant 255 : i32
      %lt3A_340 = arith.cmpi slt, %scan3A_116, %lt3A_339 : i32
      %convert_element_type3A_341 = arith.extui %lt3A_340 : i1 to i32
      %cond3A_342 = arith.constant 0 : i32
      %cond3A_343 = arith.cmpi ne, %convert_element_type3A_341, %cond3A_342 : i32
      scf.if %cond3A_343 {
        %dma_start3A_344 = arith.constant 1 : i32
        %dma_start3A_345 = arith.constant 0 : i32
        %dma_start3A_346 = arith.constant 0 : i32
        %dma_start3A_347 = tpu.memref_slice %arg5[%dma_start3A_344, %dma_start3A_345, %dma_start3A_346] : memref<2x300x11xf32, #tpu.memory_space<vmem>> -> memref<1x300x11xf32, #tpu.memory_space<vmem>>
        %dma_start3A_348 = tpu.memref_squeeze %dma_start3A_347 : memref<1x300x11xf32, #tpu.memory_space<vmem>> -> memref<300x11xf32, #tpu.memory_space<vmem>>
        %dma_start3A_349 = arith.constant 0 : i32
        %dma_start3A_350 = arith.constant 0 : i32
        %dma_start3A_351 = tpu.memref_slice %arg3[%min3A_126, %dma_start3A_349, %dma_start3A_350] : memref<16384x300x11xf32, #tpu.memory_space<hbm>> -> memref<1x300x11xf32, #tpu.memory_space<hbm>>
        %dma_start3A_352 = tpu.memref_squeeze %dma_start3A_351 : memref<1x300x11xf32, #tpu.memory_space<hbm>> -> memref<300x11xf32, #tpu.memory_space<hbm>>
        %dma_start3A_353 = arith.constant 0 : i32
        %dma_start3A_354 = arith.constant 0 : i32
        %dma_start3A_355 = tpu.memref_slice %arg5[%dma_start3A_344, %dma_start3A_353, %dma_start3A_354] : memref<2x300x11xf32, #tpu.memory_space<vmem>> -> memref<1x300x11xf32, #tpu.memory_space<vmem>>
        %dma_start3A_356 = tpu.memref_squeeze %dma_start3A_355 : memref<1x300x11xf32, #tpu.memory_space<vmem>> -> memref<300x11xf32, #tpu.memory_space<vmem>>
        %dma_start3A_357 = arith.constant 0 : i32
        %dma_start3A_358 = arith.constant 0 : i32
        %dma_start3A_359 = tpu.memref_slice %arg3[%min3A_126, %dma_start3A_357, %dma_start3A_358] : memref<16384x300x11xf32, #tpu.memory_space<hbm>> -> memref<1x300x11xf32, #tpu.memory_space<hbm>>
        %dma_start3A_360 = tpu.memref_squeeze %dma_start3A_359 : memref<1x300x11xf32, #tpu.memory_space<hbm>> -> memref<300x11xf32, #tpu.memory_space<hbm>>
        tpu.enqueue_dma source(%dma_start3A_360 : memref<300x11xf32, #tpu.memory_space<hbm>>) target(%dma_start3A_356 : memref<300x11xf32, #tpu.memory_space<vmem>>) target_semaphore(%arg10 : memref<!tpu.dma_semaphore, #tpu.memory_space<semaphore_mem>>)
      } else {
      }
    }
    %scan3A_97 = arith.constant 256 : i32
    %add3A_98 = arith.constant 512 : i32
    %add3A_99 = arith.addi %mul3A_57, %add3A_98 : i32
    %sub3A = arith.constant 1 : i32
    %sub3A_100 = arith.subi %add3A_99, %sub3A : i32
    %dma_wait3A = arith.constant 0 : i32
    %dma_wait3A_101 = arith.constant 0 : i32
    %dma_wait3A_102 = tpu.memref_slice %arg4[%sub3A_100, %dma_wait3A, %dma_wait3A_101] : memref<16384x300x18xf32, #tpu.memory_space<hbm>> -> memref<1x152x18xf32, #tpu.memory_space<hbm>>
    %dma_wait3A_103 = tpu.memref_squeeze %dma_wait3A_102 : memref<1x152x18xf32, #tpu.memory_space<hbm>> -> memref<152x18xf32, #tpu.memory_space<hbm>>
    %dma_wait3A_104 = arith.constant 0 : i32
    %dma_wait3A_105 = arith.constant 0 : i32
    %dma_wait3A_106 = tpu.memref_slice %arg4[%sub3A_100, %dma_wait3A_104, %dma_wait3A_105] : memref<16384x300x18xf32, #tpu.memory_space<hbm>> -> memref<1x152x18xf32, #tpu.memory_space<hbm>>
    %dma_wait3A_107 = tpu.memref_squeeze %dma_wait3A_106 : memref<1x152x18xf32, #tpu.memory_space<hbm>> -> memref<152x18xf32, #tpu.memory_space<hbm>>
    tpu.wait_dma2 semaphore(%arg11 : memref<!tpu.dma_semaphore, #tpu.memory_space<semaphore_mem>>) src(%arg6 : memref<152x18xf32, #tpu.memory_space<vmem>>) dst(%dma_wait3A_107 : memref<152x18xf32, #tpu.memory_space<hbm>>)
    %dma_wait3A_108 = arith.constant 152 : i32
    %dma_wait3A_109 = arith.constant 0 : i32
    %dma_wait3A_110 = tpu.memref_slice %arg4[%sub3A_100, %dma_wait3A_108, %dma_wait3A_109] : memref<16384x300x18xf32, #tpu.memory_space<hbm>> -> memref<1x148x18xf32, #tpu.memory_space<hbm>>
    %dma_wait3A_111 = tpu.memref_squeeze %dma_wait3A_110 : memref<1x148x18xf32, #tpu.memory_space<hbm>> -> memref<148x18xf32, #tpu.memory_space<hbm>>
    %dma_wait3A_112 = arith.constant 152 : i32
    %dma_wait3A_113 = arith.constant 0 : i32
    %dma_wait3A_114 = tpu.memref_slice %arg4[%sub3A_100, %dma_wait3A_112, %dma_wait3A_113] : memref<16384x300x18xf32, #tpu.memory_space<hbm>> -> memref<1x148x18xf32, #tpu.memory_space<hbm>>
    %dma_wait3A_115 = tpu.memref_squeeze %dma_wait3A_114 : memref<1x148x18xf32, #tpu.memory_space<hbm>> -> memref<148x18xf32, #tpu.memory_space<hbm>>
    tpu.wait_dma2 semaphore(%arg12 : memref<!tpu.dma_semaphore, #tpu.memory_space<semaphore_mem>>) src(%arg7 : memref<148x18xf32, #tpu.memory_space<vmem>>) dst(%dma_wait3A_115 : memref<148x18xf32, #tpu.memory_space<hbm>>)
    return
  }
}

</mosaic_0001>

<sc_bundles>
// kernel: kernel.3.cloned.1.call-start
scs
__scs_entry_jumppad:
0x0: {  	(pc) =	sbr.rel $0x88, $3  }
0x1: {  	(tag) =	ssettag $0x0;
	lr =	simm.s32 $0x1  }
0x2: {  	[smem:$0x3FA0] =	sst lr;
	_ =	strace $0xD0000000  }
0x3: {  	_ = 	snop  }
0x4: {  	_ = 	snop  }
0x5: {  	_ = 	snop  }
0x6: {  	_ = 	snop  }
0x7: {  	_ = 	snop  }
__scs_overlays_trampoline_lowered:
0x8: {  	[smem:$0x3FAF] =	sst s0  }
0x9: {  	[smem:$0x3FB0] =	sst s1  }
0xa: {  	[smem:$0x3FB1] =	sst s2  }
0xb: {  	[smem:$0x3FB2] =	sst s3  }
0xc: {  	[smem:$0x3FB3] =	sst s4  }
0xd: {  	[smem:$0x3FB4] =	sst s5  }
0xe: {  	[smem:$0x3FB5] =	sst s6  }
0xf: {  	[smem:$0x3FB6] =	sst s7  }
0x10: {  	[smem:$0x3FB7] =	sst s8  }
0x11: {  	[smem:$0x3FB8] =	sst s9;
	s0 =	simm.s32 @!p0 $0x0  }
0x12: {  	s1 =	sld [smem:$0x3F9E];
	s0 =	simm.s32 @p0 $0x1  }
0x13: {  	[smem:$0x3FB9] =	sst s0;
	s0 =	simm.s32 @!p1 $0x0  }
0x14: {  	s2 =	sld [smem:$0x3F9D];
	s0 =	simm.s32 @p1 $0x1  }
0x15: {  	[smem:$0x3FBA] =	sst s0;
	s0 =	simm.s32 @!p2 $0x0  }
0x16: {  	s3 =	sld [smem:$0x3FDB];
	s0 =	simm.s32 @p2 $0x1  }
0x17: {  	s4 =	simm.s32 $0x1BF5;
	[smem:$0x3FBC] =	sst s0  }
0x18: {  	s0 =	sld [smem:$0x3F9F];
	_ =	swait.ge [sflag:s4], $0x0  }
0x19: {  	s7 =	sld [smem:$0x3FA0]  }
0x1a: {  	s8 =	sadd.s32 $0xFFFFE003, lr  }
0x1b: {  	s9 =	sadd.s32 $0xFFFFFEF7, lr;
	s5 =	simm.s32 $0xFFFFFFFF;
	p2 =	slt.u32 s8, $0xFFFFF086  }
0x1c: {  	p1 =	slt.u32 s9, $0xF7A;
	s5 =	simm.s32 @!p2 $0x0  }
0x1d: {  	s5 =	simm.s32 @p1 $0x1;
	p0 =	seq.s32 s7, s2  }
0x1e: {  	s7 =	smul.u32 @!p0 $0xF7A, s2;
	p2 =	seq.s32 @!p0 s5, $0x0  }
0x1f: {  	s9 =	smul.u32 $0xF7A, s1;
	s8 =	simm.s32 @!p0 $0x1BF5;
	p2 =	por !p2, p0  }
0x20: {  	[sflag:s8] =	ssyncset.s32 @!p0 $0xFFFFF086;
	s6 =	sadd.s32 @!p0 s3, s7;
	s7 =	simm.s32 @!p0 $0x108  }
0x21: {  	s3 =	sadd.s32 s3, s9;
	s6 =	sadd.s32 @!p0 $0x88, s6;
	s7 =	simm.s32 @p2 $0x1082  }
0x22: {  	[simem:s7], [sflag:s8] =	dma.local @!p0 [hbm:s6], $0xF7A  }
0x23: {  	s9 =	sor.u32 $0xD0000000, s2;
	s6 =	simm.s32 $0x108;
	_ =	swait.ge @!p0 [sflag:s8], $0x0  }
0x24: {  	s3 =	sadd.s32 $0x88, s3;
	s6 =	simm.s32 @!p1 $0x1082;
	[sflag:s4] =	ssyncset.s32 $0xFFFFF086  }
0x25: {  	[simem:s6], [sflag:s4] =	dma.local [hbm:s3], $0xF7A  }
0x26: {  	[smem:$0x3FA0] =	sst s1;
	(tag) =	ssettag s2;
	_ =	strace s9  }
0x27: {  	s1 =	sld [smem:$0x3FB0]  }
0x28: {  	s2 =	sld [smem:$0x3FB1]  }
0x29: {  	s4 =	sld [smem:$0x3FB3]  }
0x2a: {  	p0 =	seq.s32 s5, $0x0;
	s5 =	sld [smem:$0x3FB4]  }
0x2b: {  	s6 =	sld [smem:$0x3FB5]  }
0x2c: {  	s7 =	sld [smem:$0x3FB6]  }
0x2d: {  	s3 =	simm.s32 $0x108;
	s8 =	sld [smem:$0x3FB7]  }
0x2e: {  	s3 =	simm.s32 @!p0 $0x1082;
	s9 =	sld [smem:$0x3FB8]  }
0x2f: {  	lr =	sadd.s32 s0, s3;
	s0 =	sld [smem:$0x3FAF]  }
0x30: {  	s3 =	sld [smem:$0x3FB2]  }
0x31: {  	[smem:$0x3FBB] =	sst s10  }
0x32: {  	s10 =	sld [smem:$0x3FB9];
	_ =	sdelay $0x3  }
0x33: {  	p0 =	seq.s32 s10, $0x1;
	s10 =	sld [smem:$0x3FBB];
	_ =	sdelay $0x3  }
0x34: {  	[smem:$0x3FBB] =	sst s10  }
0x35: {  	s10 =	sld [smem:$0x3FBA];
	_ =	sdelay $0x3  }
0x36: {  	p1 =	seq.s32 s10, $0x1;
	s10 =	sld [smem:$0x3FBB];
	_ =	sdelay $0x3  }
0x37: {  	[smem:$0x3FBB] =	sst s10  }
0x38: {  	s10 =	sld [smem:$0x3FBC]  }
0x39: {  	_ = 	snop;
	(pc) =	sbr.ind lr, $3  }
0x3a: {  	_ = 	snop  }
0x3b: {  	_ = 	snop  }
0x3c: {  	p2 =	seq.s32 s10, $0x1;
	s10 =	sld [smem:$0x3FBB]  }
0x3d: {  	_ =	shalt  }
0x3e: {  	_ =	shalt  }
0x3f: {  	_ =	shalt  }
0x40: {  	_ =	shalt  }
0x41: {  	_ =	shalt  }
0x42: {  	_ =	shalt  }
0x43: {  	_ =	shalt  }
0x44: {  	_ =	shalt  }
0x45: {  	_ =	shalt  }
0x46: {  	_ =	shalt  }
0x47: {  	_ =	shalt  }
0x48: {  	_ =	shalt  }
0x49: {  	_ =	shalt  }
0x4a: {  	_ =	shalt  }
0x4b: {  	_ =	shalt  }
0x4c: {  	_ =	shalt  }
0x4d: {  	_ =	shalt  }
0x4e: {  	_ =	shalt  }
0x4f: {  	_ =	shalt  }
0x50: {  	_ =	shalt  }
0x51: {  	_ =	shalt  }
0x52: {  	_ =	shalt  }
0x53: {  	_ =	shalt  }
0x54: {  	_ =	shalt  }
0x55: {  	_ =	shalt  }
0x56: {  	_ =	shalt  }
0x57: {  	_ =	shalt  }
0x58: {  	_ =	shalt  }
0x59: {  	_ =	shalt  }
0x5a: {  	_ =	shalt  }
0x5b: {  	_ =	shalt  }
0x5c: {  	_ =	shalt  }
0x5d: {  	_ =	shalt  }
0x5e: {  	_ =	shalt  }
0x5f: {  	_ =	shalt  }
0x60: {  	_ =	shalt  }
0x61: {  	_ =	shalt  }
0x62: {  	_ =	shalt  }
0x63: {  	_ =	shalt  }
0x64: {  	_ =	shalt  }
0x65: {  	_ =	shalt  }
0x66: {  	_ =	shalt  }
0x67: {  	_ =	shalt  }
0x68: {  	_ =	shalt  }
0x69: {  	_ =	shalt  }
0x6a: {  	_ =	shalt  }
0x6b: {  	_ =	shalt  }
0x6c: {  	_ =	shalt  }
0x6d: {  	_ =	shalt  }
0x6e: {  	_ =	shalt  }
0x6f: {  	_ =	shalt  }
0x70: {  	_ =	shalt  }
0x71: {  	_ =	shalt  }
0x72: {  	_ =	shalt  }
0x73: {  	_ =	shalt  }
0x74: {  	_ =	shalt  }
0x75: {  	_ =	shalt  }
0x76: {  	_ =	shalt  }
0x77: {  	_ =	shalt  }
0x78: {  	_ =	shalt  }
0x79: {  	_ =	shalt  }
0x7a: {  	_ =	shalt  }
0x7b: {  	_ =	shalt  }
0x7c: {  	_ =	shalt  }
0x7d: {  	_ =	shalt  }
0x7e: {  	_ =	shalt  }
0x7f: {  	_ =	shalt  }
0x80: {  	_ =	shalt  }
0x81: {  	_ =	shalt  }
0x82: {  	_ =	shalt  }
0x83: {  	_ =	shalt  }
0x84: {  	_ =	shalt  }
0x85: {  	_ =	shalt  }
0x86: {  	_ =	shalt  }
0x87: {  	_ =	shalt  }
.Lfunc_end0:
.L_simem_size_0:
called_computation.1_lowered:
.L_overlay_start_0:
0x88: {  	s2 =	sld [smem:$0x3FD9]  }
0x89: {  	s3 =	sld [smem:$0x3FFE];
	_ =	sdelay $0x1  }
0x8a: {  	s1 =	srdreg.scid  }
0x8b: {  	s0 =	sand.u32 $0x1, s1  }
0x8c: {  	s17 =	sshll.u32 s0, $0xA;
	s2 =	sadd.s32 s3, s2  }
0x8d: {  	s2 =	sadd.s32 s2, s17  }
0x8e: {  	[smem:$0x3FC7] =	sst s2  }
0x8f: {  	_ = 	snop  }
0x90: {  	s2 =	sld [smem:$0x3FD0];
	(tm) =	ssettm $0x1  }
0x91: {  	s18 =	sld [smem:$0x3FFB];
	_ =	sdelay $0x3  }
0x92: {  	_ =	strace s18  }
0x93: {  	s3 =	sld [smem:$0x3FFC];
	_ =	sdelay $0x3  }
0x94: {  	_ =	strace s3  }
0x95: {  	s3 =	sld [smem:$0x3FFD];
	_ =	sdelay $0x3  }
0x96: {  	_ =	strace s3  }
0x97: {  	_ =	strace $0x8FFFFFFF  }
0x98: {  	s19 =	sld [smem:$0x3FDB];
	_ =	sdelay $0x1  }
0x99: {  	s4 =	simm.s32 $_scs_section_size  }
0x9a: {  	s5 =	simm.s32 $_size__tile_overlayer_lowered;
	s6 =	simm.s32 $_tile_overlayer_lowered  }
0x9b: {  	s22 =	simm.s32 $0x1BFF;
	s21 =	sshll.u32 s6, $0x1;
	s3 =	sadd.s32 s4, s19  }
0x9c: {  	s7 =	simm.s32 $0x0;
	s20 =	sshll.u32 s5, $0x1;
	s5 =	sadd.s32 s21, s3  }
0x9d: {  	[timem:s7], [sflag:s22] =	dma.local [hbm:s5], s20  }
0x9e: {  	_ =	swait.ge [sflag:s22], s20  }
0x9f: {  	s4 =	ssub.s32 $0x0, s20;
	[sflag:s22] =	ssyncset.done $0x0  }
0xa0: {  	[sflag:s22] =	ssyncadd.s32 s4;
	_ =	sdelay $0x1  }
0xa1: {  	s23 =	simm.s32 $0x1B8B  }
0xa2: {  	_ =	swait.ge [sflag:s23], $0x1  }
0xa3: {  	[sflag:s23] =	ssyncset.done $0x0  }
0xa4: {  	s25 =	simm.s32 $0x1B8E;
	s24 =	sld [smem:$0x3FFE];
	[sflag:s23] =	ssyncadd.s32 $0xFFFFFFFF  }
0xa5: {  	s26 =	simm.s32 $execute0_lowered;
	[smem:$0x3FD2] =	sst s25  }
0xa6: {  	s5 =	sshll.u32 s26, $0x1;
	_ =	strace $0x80000046;
	[dreg:$0x1] =	wrdreg $0xFFFFFFFF  }
0xa7: {  	s28 =	simm.s32 $_size_execute0_lowered;
	s3 =	sadd.s32 s3, s5;
	[dreg:$0x0] =	wrdreg $0x0  }
0xa8: {  	s5 =	sshll.u32 s28, $0x1;
	[dreg:$0x2] =	wrdreg s3  }
0xa9: {  	[dreg:$0x3] =	wrdreg s5  }
0xaa: {  	[dreg:$0x4] =	wrdreg $0xC0  }
0xab: {  	_ =	task [dreg:s7], $0x5FFFF  }
0xac: {  	[dreg:$0x1] =	wrdreg $0xFFFFFFFF  }
0xad: {  	[dreg:$0x0] =	wrdreg $0x60  }
0xae: {  	[dreg:$0x2] =	wrdreg s2  }
0xaf: {  	[dreg:$0x3] =	wrdreg s24  }
0xb0: {  	[dreg:$0x4] =	wrdreg $0x9  }
0xb1: {  	_ =	task.clear_ibuf [dreg:s7], $0x5FFFF;
	_ =	strace $0x90000046  }
0xb2: {  	s29 =	simm.s32 $0x9;
	_ =	strace $0x80000048  }
0xb3: {  	_ =	swait.ge [sflag:s29], $0x1  }
0xb4: {  	[sflag:s29] =	ssyncadd.s32 $0xFFFFFFFF  }
0xb5: {  	_ =	strace $0x90000048  }
0xb6: {  	_ =	sfence  }
0xb7: {  	s30 =	sld [smem:$0x0];
	_ =	sdelay $0x2  }
0xb8: {  	s31 =	sshll.u32 s1, $0xD;
	s1 =	sshrl.u32 s1, $0x2  }
0xb9: {  	s3 =	sand.u32 $0x4000, s31;
	s1 =	sadd.s32 s1, s30  }
0xba: {  	s0 =	sor.u32 s3, s0;
	s1 =	sshll.u32 s1, $0x11  }
0xbb: {  	s0 =	sor.u32 s1, s0  }
0xbc: {  	s0 =	sadd.s32 $0x8F2B, s0  }
0xbd: {  	[sflag:s0] =	ssyncadd.remote.s32 $0x1  }
0xbe: {  	_ =	sfence.sel $0xFFFF  }
0xbf: {  	[dreg:$0x0] =	wrdreg $0xFFFFFFFF;
	(pc) =	sbr.abs _section_cstart, $3  }
0xc0: {  	[dreg:$0x1] =	wrdreg $0xFFFFFFFF  }
0xc1: {  	_ =	task.clear_ibuf [dreg:s7], $0x2FFFF;
	_ =	strace $0x9FFFFFFF  }
0xc2: {  	(tm) =	ssettm $0x7FFFFFFF  }
0xc3: {  	_ =	shalt  }
tec
execute0_lowered:
.L_overlay_start_1:
0x0: {  	(tag) =	ssettag $0x1  }
0x1: {  	s1 =	srdreg.scid;
	s2 =	rddreg [dreg:$0x0]  }
0x2: {  	s0 =	stileid.u32;
	s7 =	rddreg [dreg:$0x1]  }
0x3: {  	s10 =	simm.s32 $0x1C800;
	s11 =	simm.s32 $0x5;
	s12 =	simm.s32 $0x9800  }
0x4: {  	s13 =	simm.s32 $0x1;
	s14 =	simm.s32 $0x13000;
	s15 =	simm.s32 $0x4C00  }
0x5: {  	s16 =	simm.s32 $0x17C00;
	s17 =	simm.s32 $0x2;
	s18 =	simm.s32 $0x3  }
0x6: {  	s19 =	simm.s32 $0x4;
	s20 =	simm.s32 $0xE400;
	s5 =	sand.u32 $0x1, s1  }
0x7: {  	s21 =	simm.s32 $0x0;
	s3 =	sshll.u32 s0, $0xA;
	s4 =	sshll.u32 s5, $0x9  }
.Ltmp0:
0x8: {  	s1 =	rddreg [dreg:$0x2];
	s3 =	sor.u32 s4, s3;
	(pc) =	sbr.rel .LBB2_1-.Ltmp0, $4  }
0x9: {  	s6 =	ssub.s32 $0x2, s5;
	s5 =	sadd.s32 $0xA00, s7;
	s8 =	smul.u32 $0x1300, s3  }
0xa: {  	s7 =	sadd.s32 $0x4C00A00, s7;
	s4 =	simm.s32 $0x0;
	s9 =	sshrl.u32 s6, $0x1  }
0xb: {  	[smem:$0x7FF] =	sst s4;
	s9 =	ssub.s32 s6, s9;
	s6 =	sadd.s32 s5, s8  }
0xc: {  	_ =	strace $0x80000047;
	s9 =	smax.u32 s9, $0x1;
	s8 =	sadd.s32 $0x1300, s6  }
.LBB2_12:
0xd: {  	s21 =	sadd.s32 $0x1, s21  }
0xe: {  	_ =	swait.ge [sflag:s18], $0x4C00;
	p0 =	sne.s32 s21, s9  }
.Ltmp1:
0xf: {  	[sflag:s18] =	ssyncset.done $0x0;
	(pc) =	sbr.rel @!p0 .LBB2_13-.Ltmp1, $4  }
0x10: {  	[sflag:s18] =	ssyncadd.s32 $0xFFFFB400  }
0x11: {  	_ =	swait.ge [sflag:s19], $0x4A00  }
0x12: {  	[sflag:s19] =	ssyncset.done $0x0  }
0x13: {  	[sflag:s19] =	ssyncadd.s32 $0xFFFFB600  }
.LBB2_1:
0x14: {  	[tilespmem:s10], [sflag:$0x5] =	stream.linear.gather [hbm4b:s2+s4], $0x200, $0x38;
	[tilespmem:$0x1CA00] =	vst v63  }
0x15: {  	_ =	swait.ge [sflag:s11], $0x200  }
0x16: {  	[sflag:s11] =	ssyncset.done $0x0  }
0x17: {  	[sflag:s11] =	ssyncadd.s32 $0xFFFFFE00  }
0x18: {  	v0 =	vld [tilespmem:$0x1C800]  }
0x19: {  	v1 =	vld [tilespmem:$0x1C810]  }
0x1a: {  	v2 =	vld [tilespmem:$0x1C820]  }
0x1b: {  	v3 =	vld [tilespmem:$0x1C830]  }
0x1c: {  	v4 =	vld [tilespmem:$0x1C840]  }
0x1d: {  	v5 =	vld [tilespmem:$0x1C850]  }
0x1e: {  	v6 =	vld [tilespmem:$0x1C860]  }
0x1f: {  	v7 =	vld [tilespmem:$0x1C870]  }
0x20: {  	v8 =	vld [tilespmem:$0x1C880]  }
0x21: {  	v9 =	vld [tilespmem:$0x1C890]  }
0x22: {  	v10 =	vld [tilespmem:$0x1C8A0]  }
0x23: {  	v11 =	vld [tilespmem:$0x1C8B0]  }
0x24: {  	v12 =	vld [tilespmem:$0x1C8C0]  }
0x25: {  	v13 =	vld [tilespmem:$0x1C8D0]  }
0x26: {  	v14 =	vld [tilespmem:$0x1C8E0]  }
0x27: {  	v15 =	vld [tilespmem:$0x1C8F0]  }
0x28: {  	v16 =	vld [tilespmem:$0x1C900]  }
0x29: {  	v17 =	vld [tilespmem:$0x1C910]  }
0x2a: {  	v18 =	vld [tilespmem:$0x1C920]  }
0x2b: {  	v19 =	vld [tilespmem:$0x1C930]  }
0x2c: {  	v20 =	vld [tilespmem:$0x1C940]  }
0x2d: {  	v21 =	vld [tilespmem:$0x1C950]  }
0x2e: {  	v22 =	vld [tilespmem:$0x1C960]  }
0x2f: {  	v23 =	vld [tilespmem:$0x1C970]  }
0x30: {  	v24 =	vld [tilespmem:$0x1C980]  }
0x31: {  	v25 =	vld [tilespmem:$0x1C990]  }
0x32: {  	v26 =	vld [tilespmem:$0x1C9A0];
	[tilespmem:s4], [sflag:$0x1] =	stream.linear.gather [hbm4b:s6+s4], $0x9600, $0x38  }
0x33: {  	s22 =	simm.s32 $0x0  }
0x34: {  	[tilespmem:s12], [sflag:$0x2] =	stream.linear.gather [hbm4b:s8+s4], $0x9600, $0x38;
	[tilespmem:$0x1CA00] =	vst v63  }
.LBB2_2:
0x35: {  	_ =	swait.ge [sflag:s13], $0x9600;
	v28 =	vshll.u32 v0, $0x7  }
0x36: {  	p0 =	seq.s32 s22, $0x0;
	[sflag:s13] =	ssyncset.done $0x0;
	v27 =	vadd.s32 v9, v28  }
0x37: {  	s23 =	simm.s32 @!p0 $0x3;
	[sflag:s13] =	ssyncadd.s32 $0xFFFF6A00  }
0x38: {  	_ =	swait.ge @!p0 [sflag:s23], $0x4C00  }
0x39: {  	[sflag:s23] =	ssyncset.done @!p0 $0x0  }
0x3a: {  	[sflag:s23] =	ssyncadd.s32 @!p0 $0xFFFFB400  }
0x3b: {  	v31 =	vshll.u32 v1, $0x7;
	v28 =	vadd.s32 v18, v28;
	v30 =	vld.idx.msk [tilespmem:v27+s4+$0x0], $0xffff  }
0x3c: {  	v29 =	vadd.s32 v10, v31;
	_ =	sdelay $0x3  }
0x3d: {  	[tilespmem:v28+s14+$0x0] =	vst.idx.msk $0xffff, v30  }
0x3e: {  	v33 =	vshll.u32 v2, $0x7;
	v30 =	vadd.s32 v19, v31;
	v32 =	vld.idx.msk [tilespmem:v29+s4+$0x0], $0xffff  }
0x3f: {  	v31 =	vadd.s32 v11, v33;
	_ =	sdelay $0x3  }
0x40: {  	[tilespmem:v30+s14+$0x0] =	vst.idx.msk $0xffff, v32  }
0x41: {  	v35 =	vshll.u32 v3, $0x7;
	v32 =	vadd.s32 v20, v33;
	v34 =	vld.idx.msk [tilespmem:v31+s4+$0x0], $0xffff  }
0x42: {  	v33 =	vadd.s32 v12, v35;
	_ =	sdelay $0x3  }
0x43: {  	[tilespmem:v32+s14+$0x0] =	vst.idx.msk $0xffff, v34  }
0x44: {  	v37 =	vshll.u32 v4, $0x7;
	v34 =	vadd.s32 v21, v35;
	v36 =	vld.idx.msk [tilespmem:v33+s4+$0x0], $0xffff  }
0x45: {  	v35 =	vadd.s32 v13, v37;
	_ =	sdelay $0x3  }
0x46: {  	[tilespmem:v34+s14+$0x0] =	vst.idx.msk $0xffff, v36  }
0x47: {  	v39 =	vshll.u32 v5, $0x7;
	v36 =	vadd.s32 v22, v37;
	v38 =	vld.idx.msk [tilespmem:v35+s4+$0x0], $0xffff  }
0x48: {  	v37 =	vadd.s32 v14, v39;
	_ =	sdelay $0x3  }
0x49: {  	[tilespmem:v36+s14+$0x0] =	vst.idx.msk $0xffff, v38  }
0x4a: {  	v41 =	vshll.u32 v6, $0x7;
	v38 =	vadd.s32 v23, v39;
	v40 =	vld.idx.msk [tilespmem:v37+s4+$0x0], $0xffff  }
0x4b: {  	v39 =	vadd.s32 v15, v41;
	_ =	sdelay $0x3  }
0x4c: {  	[tilespmem:v38+s14+$0x0] =	vst.idx.msk $0xffff, v40  }
0x4d: {  	v43 =	vshll.u32 v7, $0x7;
	v41 =	vadd.s32 v24, v41;
	v40 =	vld.idx.msk [tilespmem:v39+s4+$0x0], $0xffff  }
0x4e: {  	v42 =	vadd.s32 v16, v43;
	_ =	sdelay $0x3  }
0x4f: {  	[tilespmem:v41+s14+$0x0] =	vst.idx.msk $0xffff, v40  }
0x50: {  	v44 =	vadd.s32 v25, v43;
	v40 =	vshll.u32 v8, $0x7;
	v45 =	vld.idx.msk [tilespmem:v42+s4+$0x0], $0xffff  }
0x51: {  	v43 =	vadd.s32 v17, v40;
	_ =	sdelay $0x2  }
0x52: {  	s31 =	sshll.u32 s22, $0x1;
	v52 =	vadd.s32 $0x8, v0  }
0x53: {  	v53 =	vmovc v1;
	v51 =	vmovc v2;
	v50 =	vmov v3;
	v49 =	vmov v4;
	v48 =	vmov v5;
	s24 =	sadd.s32 s3, s31;
	[tilespmem:v44+s14+$0x0] =	vst.idx.msk $0xffff, v45  }
0x54: {  	s26 =	simm.s32 $0x11;
	v47 =	vmovc v6;
	v46 =	vmovc v7;
	v54 =	vshll.u32 v52, $0x7;
	s25 =	smin.u32 s24, $0x3FFD;
	s23 =	smin.u32 s24, $0x3FFC;
	v56 =	vadd.s32 v26, v40;
	v45 =	vmov v8;
	v55 =	vld.idx.msk [tilespmem:v43+s4+$0x0], $0xffff  }
.LBB2_3:
0x55: {  	p1 =	sne.s32 s26, $0x1;
	v57 =	vadd.s32 v9, v54;
	_ =	sdelay $0x3  }
0x56: {  	[tilespmem:v56+s14+$0x0] =	vst.idx.msk $0xffff, v55  }
0x57: {  	v53 =	vadd.s32 $0x8, v53;
	v55 =	vld.idx.msk [tilespmem:v57+s4+$0x0], $0xffff  }
0x58: {  	v54 =	vadd.s32 v18, v54;
	v56 =	vshll.u32 v53, $0x7  }
0x59: {  	v57 =	vadd.s32 v10, v56;
	_ =	sdelay $0x3  }
0x5a: {  	[tilespmem:v54+s14+$0x0] =	vst.idx.msk $0xffff, v55  }
0x5b: {  	v51 =	vadd.s32 $0x8, v51;
	v54 =	vld.idx.msk [tilespmem:v57+s4+$0x0], $0xffff  }
0x5c: {  	v55 =	vadd.s32 v19, v56;
	v56 =	vshll.u32 v51, $0x7  }
0x5d: {  	v57 =	vadd.s32 v11, v56;
	_ =	sdelay $0x3  }
0x5e: {  	[tilespmem:v55+s14+$0x0] =	vst.idx.msk $0xffff, v54  }
0x5f: {  	v50 =	vadd.s32 $0x8, v50;
	v54 =	vld.idx.msk [tilespmem:v57+s4+$0x0], $0xffff  }
0x60: {  	v55 =	vadd.s32 v20, v56;
	v56 =	vshll.u32 v50, $0x7  }
0x61: {  	v57 =	vadd.s32 v12, v56;
	_ =	sdelay $0x3  }
0x62: {  	[tilespmem:v55+s14+$0x0] =	vst.idx.msk $0xffff, v54  }
0x63: {  	v49 =	vadd.s32 $0x8, v49;
	v54 =	vld.idx.msk [tilespmem:v57+s4+$0x0], $0xffff  }
0x64: {  	v55 =	vadd.s32 v21, v56;
	v56 =	vshll.u32 v49, $0x7  }
0x65: {  	v57 =	vadd.s32 v13, v56;
	_ =	sdelay $0x3  }
0x66: {  	[tilespmem:v55+s14+$0x0] =	vst.idx.msk $0xffff, v54  }
0x67: {  	v48 =	vadd.s32 $0x8, v48;
	v54 =	vld.idx.msk [tilespmem:v57+s4+$0x0], $0xffff  }
0x68: {  	v55 =	vadd.s32 v22, v56;
	v56 =	vshll.u32 v48, $0x7  }
0x69: {  	v57 =	vadd.s32 v14, v56;
	_ =	sdelay $0x3  }
0x6a: {  	[tilespmem:v55+s14+$0x0] =	vst.idx.msk $0xffff, v54  }
0x6b: {  	v47 =	vadd.s32 $0x8, v47;
	v54 =	vld.idx.msk [tilespmem:v57+s4+$0x0], $0xffff  }
0x6c: {  	v55 =	vadd.s32 v23, v56;
	v56 =	vshll.u32 v47, $0x7  }
0x6d: {  	v57 =	vadd.s32 v15, v56;
	_ =	sdelay $0x3  }
0x6e: {  	[tilespmem:v55+s14+$0x0] =	vst.idx.msk $0xffff, v54  }
0x6f: {  	v46 =	vadd.s32 $0x8, v46;
	v54 =	vld.idx.msk [tilespmem:v57+s4+$0x0], $0xffff  }
0x70: {  	v55 =	vadd.s32 v24, v56;
	v56 =	vshll.u32 v46, $0x7  }
0x71: {  	v57 =	vadd.s32 v16, v56;
	_ =	sdelay $0x3  }
0x72: {  	[tilespmem:v55+s14+$0x0] =	vst.idx.msk $0xffff, v54  }
0x73: {  	v45 =	vadd.s32 $0x8, v45;
	v54 =	vld.idx.msk [tilespmem:v57+s4+$0x0], $0xffff  }
0x74: {  	v55 =	vadd.s32 v25, v56;
	v56 =	vshll.u32 v45, $0x7  }
0x75: {  	v57 =	vadd.s32 v17, v56;
	_ =	sdelay $0x1  }
.Ltmp2:
0x76: {  	(pc) =	sbr.rel @p1 .LBB2_3-.Ltmp2, $4  }
0x77: {  	_ = 	snop  }
0x78: {  	[tilespmem:v55+s14+$0x0] =	vst.idx.msk $0xffff, v54  }
0x79: {  	v52 =	vadd.s32 $0x8, v52;
	v55 =	vld.idx.msk [tilespmem:v57+s4+$0x0], $0xffff  }
0x7a: {  	s26 =	sadd.s32 $0xFFFFFFFF, s26;
	v56 =	vadd.s32 v26, v56;
	v54 =	vshll.u32 v52, $0x7  }
0x7b: {  	v52 =	vadd.s32 v9, v54;
	_ =	sdelay $0x3  }
0x7c: {  	v53 =	vadd.s32 $0x8, v53;
	[tilespmem:v56+s14+$0x0] =	vst.idx.msk $0xffff, v55  }
0x7d: {  	v61 =	vadd.s32 v18, v54;
	v53 =	vshll.u32 v53, $0x7;
	v52 =	vld.idx.msk [tilespmem:v52+s4+$0x0], $0xffff  }
0x7e: {  	v62 =	vadd.s32 v10, v53;
	_ =	sdelay $0x3  }
0x7f: {  	v51 =	vadd.s32 $0x8, v51;
	[tilespmem:v61+s14+$0x0] =	vst.idx.msk $0xffff, v52  }
0x80: {  	v51 =	vshll.u32 v51, $0x7;
	v53 =	vadd.s32 v19, v53;
	v52 =	vld.idx.msk [tilespmem:v62+s4+$0x0], $0xffff  }
0x81: {  	v63 =	vadd.s32 v11, v51;
	_ =	sdelay $0x3  }
0x82: {  	v50 =	vadd.s32 $0x8, v50;
	[tilespmem:v53+s14+$0x0] =	vst.idx.msk $0xffff, v52  }
0x83: {  	v50 =	vshll.u32 v50, $0x7;
	v51 =	vadd.s32 v20, v51;
	v52 =	vld.idx.msk [tilespmem:v63+s4+$0x0], $0xffff  }
0x84: {  	v57 =	vadd.s32 v12, v50;
	_ =	sdelay $0x3  }
0x85: {  	v49 =	vadd.s32 $0x8, v49;
	[tilespmem:v51+s14+$0x0] =	vst.idx.msk $0xffff, v52  }
0x86: {  	v49 =	vshll.u32 v49, $0x7;
	v50 =	vadd.s32 v21, v50;
	v51 =	vld.idx.msk [tilespmem:v57+s4+$0x0], $0xffff  }
0x87: {  	v58 =	vadd.s32 v13, v49;
	_ =	sdelay $0x3  }
0x88: {  	v48 =	vadd.s32 $0x8, v48;
	[tilespmem:v50+s14+$0x0] =	vst.idx.msk $0xffff, v51  }
0x89: {  	v48 =	vshll.u32 v48, $0x7;
	v49 =	vadd.s32 v22, v49;
	v50 =	vld.idx.msk [tilespmem:v58+s4+$0x0], $0xffff  }
0x8a: {  	v59 =	vadd.s32 v14, v48;
	_ =	sdelay $0x3  }
0x8b: {  	v47 =	vadd.s32 $0x8, v47;
	[tilespmem:v49+s14+$0x0] =	vst.idx.msk $0xffff, v50  }
0x8c: {  	v47 =	vshll.u32 v47, $0x7;
	v48 =	vadd.s32 v23, v48;
	v49 =	vld.idx.msk [tilespmem:v59+s4+$0x0], $0xffff  }
0x8d: {  	v60 =	vadd.s32 v15, v47;
	_ =	sdelay $0x3  }
0x8e: {  	v46 =	vadd.s32 $0x8, v46;
	[tilespmem:v48+s14+$0x0] =	vst.idx.msk $0xffff, v49  }
0x8f: {  	v46 =	vshll.u32 v46, $0x7;
	v47 =	vadd.s32 v24, v47;
	v48 =	vld.idx.msk [tilespmem:v60+s4+$0x0], $0xffff  }
0x90: {  	v61 =	vadd.s32 v16, v46;
	_ =	sdelay $0x3  }
0x91: {  	v45 =	vadd.s32 $0x8, v45;
	[tilespmem:v47+s14+$0x0] =	vst.idx.msk $0xffff, v48  }
0x92: {  	v45 =	vshll.u32 v45, $0x7;
	v46 =	vadd.s32 v25, v46;
	v47 =	vld.idx.msk [tilespmem:v61+s4+$0x0], $0xffff  }
0x93: {  	v62 =	vadd.s32 v17, v45;
	_ =	sdelay $0x3  }
0x94: {  	[tilespmem:v46+s14+$0x0] =	vst.idx.msk $0xffff, v47  }
0x95: {  	v45 =	vadd.s32 v26, v45;
	v46 =	vld.idx.msk [tilespmem:v62+s4+$0x0], $0xffff;
	_ =	sdelay $0x1  }
0x96: {  	s24 =	smul.u32 $0x9800, s24;
	_ =	sdelay $0x1  }
0x97: {  	s24 =	sshrl.u32 s24, $0x3  }
0x98: {  	s26 =	simm.s32 @!p0 $0x4;
	s24 =	sadd.s32 s7, s24;
	[tilespmem:v45+s14+$0x0] =	vst.idx.msk $0xffff, v46  }
0x99: {  	[hbm4b:s24+s4] =	stream.linear.scatter [tilespmem:s14], [sflag:$0x3], $0x4C00, $0x38;
	[tilespmem:$0x1CA00] =	vst v63  }
0x9a: {  	_ =	swait.ge @!p0 [sflag:s26], $0x4A00  }
0x9b: {  	[sflag:s26] =	ssyncset.done @!p0 $0x0  }
0x9c: {  	[sflag:s26] =	ssyncadd.s32 @!p0 $0xFFFFB600  }
0x9d: {  	v63 =	vld.idx.msk [tilespmem:v27+s15+$0x0], $0xffff;
	_ =	sdelay $0x4  }
0x9e: {  	[tilespmem:v28+s16+$0x0] =	vst.idx.msk $0xffff, v63  }
0x9f: {  	v45 =	vld.idx.msk [tilespmem:v29+s15+$0x0], $0xffff;
	_ =	sdelay $0x4  }
0xa0: {  	[tilespmem:v30+s16+$0x0] =	vst.idx.msk $0xffff, v45  }
0xa1: {  	v45 =	vld.idx.msk [tilespmem:v31+s15+$0x0], $0xffff;
	_ =	sdelay $0x4  }
0xa2: {  	[tilespmem:v32+s16+$0x0] =	vst.idx.msk $0xffff, v45  }
0xa3: {  	v45 =	vld.idx.msk [tilespmem:v33+s15+$0x0], $0xffff;
	_ =	sdelay $0x4  }
0xa4: {  	[tilespmem:v34+s16+$0x0] =	vst.idx.msk $0xffff, v45  }
0xa5: {  	v45 =	vld.idx.msk [tilespmem:v35+s15+$0x0], $0xffff;
	_ =	sdelay $0x4  }
0xa6: {  	[tilespmem:v36+s16+$0x0] =	vst.idx.msk $0xffff, v45  }
0xa7: {  	v45 =	vld.idx.msk [tilespmem:v37+s15+$0x0], $0xffff;
	_ =	sdelay $0x4  }
0xa8: {  	[tilespmem:v38+s16+$0x0] =	vst.idx.msk $0xffff, v45  }
0xa9: {  	v45 =	vld.idx.msk [tilespmem:v39+s15+$0x0], $0xffff;
	_ =	sdelay $0x4  }
0xaa: {  	[tilespmem:v41+s16+$0x0] =	vst.idx.msk $0xffff, v45  }
0xab: {  	v45 =	vld.idx.msk [tilespmem:v42+s15+$0x0], $0xffff;
	_ =	sdelay $0x3  }
0xac: {  	v56 =	vadd.s32 v26, v40  }
0xad: {  	v53 =	vmovc v1;
	v52 =	vmovc v2;
	v51 =	vmov v3;
	v50 =	vmov v4;
	[tilespmem:v44+s16+$0x0] =	vst.idx.msk $0xffff, v45;
	v45 =	vadd.s32 $0x8, v0  }
0xae: {  	v49 =	vmovc v5;
	v48 =	vmovc v6;
	v47 =	vmov v7;
	v46 =	vmov v8;
	s26 =	simm.s32 $0x10;
	v55 =	vld.idx.msk [tilespmem:v43+s15+$0x0], $0xffff;
	v54 =	vshll.u32 v45, $0x7  }
.LBB2_5:
0xaf: {  	p0 =	sne.s32 s26, $0x1;
	v57 =	vadd.s32 v9, v54;
	_ =	sdelay $0x3  }
0xb0: {  	[tilespmem:v56+s16+$0x0] =	vst.idx.msk $0xffff, v55  }
0xb1: {  	v53 =	vadd.s32 $0x8, v53;
	v55 =	vld.idx.msk [tilespmem:v57+s15+$0x0], $0xffff  }
0xb2: {  	v54 =	vadd.s32 v18, v54;
	v56 =	vshll.u32 v53, $0x7  }
0xb3: {  	v57 =	vadd.s32 v10, v56;
	_ =	sdelay $0x3  }
0xb4: {  	[tilespmem:v54+s16+$0x0] =	vst.idx.msk $0xffff, v55  }
0xb5: {  	v52 =	vadd.s32 $0x8, v52;
	v54 =	vld.idx.msk [tilespmem:v57+s15+$0x0], $0xffff  }
0xb6: {  	v55 =	vadd.s32 v19, v56;
	v56 =	vshll.u32 v52, $0x7  }
0xb7: {  	v57 =	vadd.s32 v11, v56;
	_ =	sdelay $0x3  }
0xb8: {  	[tilespmem:v55+s16+$0x0] =	vst.idx.msk $0xffff, v54  }
0xb9: {  	v51 =	vadd.s32 $0x8, v51;
	v54 =	vld.idx.msk [tilespmem:v57+s15+$0x0], $0xffff  }
0xba: {  	v55 =	vadd.s32 v20, v56;
	v56 =	vshll.u32 v51, $0x7  }
0xbb: {  	v57 =	vadd.s32 v12, v56;
	_ =	sdelay $0x3  }
0xbc: {  	[tilespmem:v55+s16+$0x0] =	vst.idx.msk $0xffff, v54  }
0xbd: {  	v50 =	vadd.s32 $0x8, v50;
	v54 =	vld.idx.msk [tilespmem:v57+s15+$0x0], $0xffff  }
0xbe: {  	v55 =	vadd.s32 v21, v56;
	v56 =	vshll.u32 v50, $0x7  }
0xbf: {  	v57 =	vadd.s32 v13, v56;
	_ =	sdelay $0x3  }
0xc0: {  	[tilespmem:v55+s16+$0x0] =	vst.idx.msk $0xffff, v54  }
0xc1: {  	v49 =	vadd.s32 $0x8, v49;
	v54 =	vld.idx.msk [tilespmem:v57+s15+$0x0], $0xffff  }
0xc2: {  	v55 =	vadd.s32 v22, v56;
	v56 =	vshll.u32 v49, $0x7  }
0xc3: {  	v57 =	vadd.s32 v14, v56;
	_ =	sdelay $0x3  }
0xc4: {  	[tilespmem:v55+s16+$0x0] =	vst.idx.msk $0xffff, v54  }
0xc5: {  	v48 =	vadd.s32 $0x8, v48;
	v54 =	vld.idx.msk [tilespmem:v57+s15+$0x0], $0xffff  }
0xc6: {  	v55 =	vadd.s32 v23, v56;
	v56 =	vshll.u32 v48, $0x7  }
0xc7: {  	v57 =	vadd.s32 v15, v56;
	_ =	sdelay $0x3  }
0xc8: {  	[tilespmem:v55+s16+$0x0] =	vst.idx.msk $0xffff, v54  }
0xc9: {  	v47 =	vadd.s32 $0x8, v47;
	v54 =	vld.idx.msk [tilespmem:v57+s15+$0x0], $0xffff  }
0xca: {  	v55 =	vadd.s32 v24, v56;
	v56 =	vshll.u32 v47, $0x7  }
0xcb: {  	v57 =	vadd.s32 v16, v56;
	_ =	sdelay $0x3  }
0xcc: {  	[tilespmem:v55+s16+$0x0] =	vst.idx.msk $0xffff, v54  }
0xcd: {  	v46 =	vadd.s32 $0x8, v46;
	v54 =	vld.idx.msk [tilespmem:v57+s15+$0x0], $0xffff  }
0xce: {  	v55 =	vadd.s32 v25, v56;
	v56 =	vshll.u32 v46, $0x7  }
0xcf: {  	v57 =	vadd.s32 v17, v56;
	_ =	sdelay $0x1  }
.Ltmp3:
0xd0: {  	(pc) =	sbr.rel @p0 .LBB2_5-.Ltmp3, $4  }
0xd1: {  	_ = 	snop  }
0xd2: {  	[tilespmem:v55+s16+$0x0] =	vst.idx.msk $0xffff, v54  }
0xd3: {  	v45 =	vadd.s32 $0x8, v45;
	v55 =	vld.idx.msk [tilespmem:v57+s15+$0x0], $0xffff  }
0xd4: {  	s26 =	sadd.s32 $0xFFFFFFFF, s26;
	v56 =	vadd.s32 v26, v56;
	v54 =	vshll.u32 v45, $0x7  }
0xd5: {  	v57 =	vadd.s32 v9, v54;
	_ =	sdelay $0x3  }
0xd6: {  	v53 =	vadd.s32 $0x8, v53;
	[tilespmem:v56+s16+$0x0] =	vst.idx.msk $0xffff, v55  }
0xd7: {  	v62 =	vadd.s32 v18, v54;
	v63 =	vshll.u32 v53, $0x7;
	v55 =	vld.idx.msk [tilespmem:v57+s15+$0x0], $0xffff  }
0xd8: {  	v60 =	vadd.s32 v10, v63;
	_ =	sdelay $0x3  }
0xd9: {  	v52 =	vadd.s32 $0x8, v52;
	[tilespmem:v62+s16+$0x0] =	vst.idx.msk $0xffff, v55  }
0xda: {  	v61 =	vadd.s32 v19, v63;
	v62 =	vshll.u32 v52, $0x7;
	v54 =	vld.idx.msk [tilespmem:v60+s15+$0x0], $0xffff  }
0xdb: {  	v63 =	vadd.s32 v11, v62;
	_ =	sdelay $0x3  }
0xdc: {  	v51 =	vadd.s32 $0x8, v51;
	[tilespmem:v61+s16+$0x0] =	vst.idx.msk $0xffff, v54  }
0xdd: {  	v60 =	vadd.s32 v20, v62;
	v61 =	vshll.u32 v51, $0x7;
	v54 =	vld.idx.msk [tilespmem:v63+s15+$0x0], $0xffff  }
0xde: {  	v62 =	vadd.s32 v12, v61;
	_ =	sdelay $0x3  }
0xdf: {  	v50 =	vadd.s32 $0x8, v50;
	[tilespmem:v60+s16+$0x0] =	vst.idx.msk $0xffff, v54  }
0xe0: {  	v63 =	vadd.s32 v21, v61;
	v60 =	vshll.u32 v50, $0x7;
	v54 =	vld.idx.msk [tilespmem:v62+s15+$0x0], $0xffff  }
0xe1: {  	v61 =	vadd.s32 v13, v60;
	_ =	sdelay $0x3  }
0xe2: {  	v49 =	vadd.s32 $0x8, v49;
	[tilespmem:v63+s16+$0x0] =	vst.idx.msk $0xffff, v54  }
0xe3: {  	v49 =	vshll.u32 v49, $0x7;
	v62 =	vadd.s32 v22, v60;
	v54 =	vld.idx.msk [tilespmem:v61+s15+$0x0], $0xffff  }
0xe4: {  	v63 =	vadd.s32 v14, v49;
	_ =	sdelay $0x3  }
0xe5: {  	v48 =	vadd.s32 $0x8, v48;
	[tilespmem:v62+s16+$0x0] =	vst.idx.msk $0xffff, v54  }
0xe6: {  	v48 =	vshll.u32 v48, $0x7;
	v49 =	vadd.s32 v23, v49;
	v54 =	vld.idx.msk [tilespmem:v63+s15+$0x0], $0xffff  }
0xe7: {  	v57 =	vadd.s32 v15, v48;
	_ =	sdelay $0x3  }
0xe8: {  	v47 =	vadd.s32 $0x8, v47;
	[tilespmem:v49+s16+$0x0] =	vst.idx.msk $0xffff, v54  }
0xe9: {  	v47 =	vshll.u32 v47, $0x7;
	v48 =	vadd.s32 v24, v48;
	v49 =	vld.idx.msk [tilespmem:v57+s15+$0x0], $0xffff  }
0xea: {  	v58 =	vadd.s32 v16, v47;
	_ =	sdelay $0x3  }
0xeb: {  	v46 =	vadd.s32 $0x8, v46;
	[tilespmem:v48+s16+$0x0] =	vst.idx.msk $0xffff, v49  }
0xec: {  	v46 =	vshll.u32 v46, $0x7;
	v47 =	vadd.s32 v25, v47;
	v48 =	vld.idx.msk [tilespmem:v58+s15+$0x0], $0xffff  }
0xed: {  	v59 =	vadd.s32 v17, v46;
	_ =	sdelay $0x3  }
0xee: {  	v45 =	vadd.s32 $0x8, v45;
	[tilespmem:v47+s16+$0x0] =	vst.idx.msk $0xffff, v48  }
0xef: {  	v45 =	vshll.u32 v45, $0x7;
	v46 =	vadd.s32 v26, v46;
	v47 =	vld.idx.msk [tilespmem:v59+s15+$0x0], $0xffff  }
0xf0: {  	v60 =	vadd.s32 v9, v45;
	_ =	sdelay $0x3  }
0xf1: {  	v61 =	vadd.s32 $0x8, v53;
	[tilespmem:v46+s16+$0x0] =	vst.idx.msk $0xffff, v47  }
0xf2: {  	v45 =	vadd.s32 v18, v45;
	v46 =	vshll.u32 v61, $0x7;
	v47 =	vld.idx.msk [tilespmem:v60+s15+$0x0], $0xffff  }
0xf3: {  	v62 =	vadd.s32 v10, v46;
	_ =	sdelay $0x3  }
0xf4: {  	v63 =	vadd.s32 $0x8, v52;
	[tilespmem:v45+s16+$0x0] =	vst.idx.msk $0xffff, v47  }
0xf5: {  	v52 =	vshll.u32 v63, $0x7;
	v46 =	vadd.s32 v19, v46;
	v45 =	vld.idx.msk [tilespmem:v62+s15+$0x0], $0xffff  }
0xf6: {  	v53 =	vadd.s32 v11, v52;
	_ =	sdelay $0x3  }
0xf7: {  	v54 =	vadd.s32 $0x8, v51;
	[tilespmem:v46+s16+$0x0] =	vst.idx.msk $0xffff, v45  }
0xf8: {  	v55 =	vadd.s32 v20, v52;
	v56 =	vshll.u32 v54, $0x7;
	v45 =	vld.idx.msk [tilespmem:v53+s15+$0x0], $0xffff  }
0xf9: {  	v57 =	vadd.s32 v12, v56;
	_ =	sdelay $0x3  }
0xfa: {  	v58 =	vadd.s32 $0x8, v50;
	[tilespmem:v55+s16+$0x0] =	vst.idx.msk $0xffff, v45  }
0xfb: {  	v59 =	vadd.s32 v21, v56;
	v60 =	vshll.u32 v58, $0x7;
	v45 =	vld.idx.msk [tilespmem:v57+s15+$0x0], $0xffff  }
0xfc: {  	v61 =	vadd.s32 v13, v60;
	_ =	sdelay $0x3  }
0xfd: {  	[tilespmem:v59+s16+$0x0] =	vst.idx.msk $0xffff, v45  }
0xfe: {  	v62 =	vadd.s32 v22, v60;
	v45 =	vld.idx.msk [tilespmem:v61+s15+$0x0], $0xffff  }
0xff: {  	p0 =	seq.s32 s22, $0xFF  }
0x100: {  	s25 =	smul.u32 @!p0 $0x9800, s25;
	_ =	sdelay $0x1  }
0x101: {  	s25 =	sshrl.u32 @!p0 s25, $0x3  }
0x102: {  	s26 =	sadd.s32 $0x980, s24;
	s25 =	sadd.s32 @!p0 s5, s25;
	[tilespmem:v62+s16+$0x0] =	vst.idx.msk $0xff, v45  }
0x103: {  	[hbm4b:s26+s4] =	stream.linear.scatter [tilespmem:s16], [sflag:$0x4], $0x4A00, $0x38;
	[tilespmem:$0x1CA00] =	vst v63  }
0x104: {  	s25 =	sadd.s32 @!p0 $0x2600, s25;
	s26 =	simm.s32 @!p0 $0x0  }
0x105: {  	[tilespmem:s26], [sflag:$0x1] =	stream.linear.gather @!p0 [hbm4b:s25+s26], $0x9600, $0x38;
	[tilespmem:$0x1CA00] =	vst v63  }
0x106: {  	_ =	swait.ge [sflag:s17], $0x9600  }
0x107: {  	[sflag:s17] =	ssyncset.done $0x0  }
0x108: {  	[sflag:s17] =	ssyncadd.s32 $0xFFFF6A00  }
0x109: {  	_ =	swait.ge [sflag:s18], $0x4C00  }
0x10a: {  	[sflag:s18] =	ssyncset.done $0x0  }
0x10b: {  	[sflag:s18] =	ssyncadd.s32 $0xFFFFB400  }
0x10c: {  	v63 =	vld.idx.msk [tilespmem:v27+s12+$0x0], $0xffff;
	_ =	sdelay $0x4  }
0x10d: {  	[tilespmem:v28+s14+$0x0] =	vst.idx.msk $0xffff, v63  }
0x10e: {  	v45 =	vld.idx.msk [tilespmem:v29+s12+$0x0], $0xffff;
	_ =	sdelay $0x4  }
0x10f: {  	[tilespmem:v30+s14+$0x0] =	vst.idx.msk $0xffff, v45  }
0x110: {  	v45 =	vld.idx.msk [tilespmem:v31+s12+$0x0], $0xffff;
	_ =	sdelay $0x4  }
0x111: {  	[tilespmem:v32+s14+$0x0] =	vst.idx.msk $0xffff, v45  }
0x112: {  	v45 =	vld.idx.msk [tilespmem:v33+s12+$0x0], $0xffff;
	_ =	sdelay $0x4  }
0x113: {  	[tilespmem:v34+s14+$0x0] =	vst.idx.msk $0xffff, v45  }
0x114: {  	v45 =	vld.idx.msk [tilespmem:v35+s12+$0x0], $0xffff;
	_ =	sdelay $0x4  }
0x115: {  	[tilespmem:v36+s14+$0x0] =	vst.idx.msk $0xffff, v45  }
0x116: {  	v45 =	vld.idx.msk [tilespmem:v37+s12+$0x0], $0xffff;
	_ =	sdelay $0x4  }
0x117: {  	[tilespmem:v38+s14+$0x0] =	vst.idx.msk $0xffff, v45  }
0x118: {  	v45 =	vld.idx.msk [tilespmem:v39+s12+$0x0], $0xffff;
	_ =	sdelay $0x4  }
0x119: {  	[tilespmem:v41+s14+$0x0] =	vst.idx.msk $0xffff, v45  }
0x11a: {  	v45 =	vld.idx.msk [tilespmem:v42+s12+$0x0], $0xffff;
	_ =	sdelay $0x3  }
0x11b: {  	v52 =	vadd.s32 $0x8, v0  }
0x11c: {  	v51 =	vmovc v2;
	v54 =	vshll.u32 v52, $0x7;
	v49 =	vmovc v4;
	v50 =	vmov v3;
	v48 =	vmov v5;
	[tilespmem:v44+s14+$0x0] =	vst.idx.msk $0xffff, v45  }
0x11d: {  	v56 =	vadd.s32 v26, v40;
	v47 =	vmovc v6;
	v46 =	vmovc v7;
	v53 =	vmov v1;
	s25 =	sadd.s32 $0x1300, s24;
	s26 =	simm.s32 $0x11;
	v45 =	vmov v8;
	v55 =	vld.idx.msk [tilespmem:v43+s12+$0x0], $0xffff  }
.LBB2_7:
0x11e: {  	p1 =	sne.s32 s26, $0x1;
	v57 =	vadd.s32 v9, v54;
	_ =	sdelay $0x3  }
0x11f: {  	[tilespmem:v56+s14+$0x0] =	vst.idx.msk $0xffff, v55  }
0x120: {  	v53 =	vadd.s32 $0x8, v53;
	v55 =	vld.idx.msk [tilespmem:v57+s12+$0x0], $0xffff  }
0x121: {  	v54 =	vadd.s32 v18, v54;
	v56 =	vshll.u32 v53, $0x7  }
0x122: {  	v57 =	vadd.s32 v10, v56;
	_ =	sdelay $0x3  }
0x123: {  	[tilespmem:v54+s14+$0x0] =	vst.idx.msk $0xffff, v55  }
0x124: {  	v51 =	vadd.s32 $0x8, v51;
	v54 =	vld.idx.msk [tilespmem:v57+s12+$0x0], $0xffff  }
0x125: {  	v55 =	vadd.s32 v19, v56;
	v56 =	vshll.u32 v51, $0x7  }
0x126: {  	v57 =	vadd.s32 v11, v56;
	_ =	sdelay $0x3  }
0x127: {  	[tilespmem:v55+s14+$0x0] =	vst.idx.msk $0xffff, v54  }
0x128: {  	v50 =	vadd.s32 $0x8, v50;
	v54 =	vld.idx.msk [tilespmem:v57+s12+$0x0], $0xffff  }
0x129: {  	v55 =	vadd.s32 v20, v56;
	v56 =	vshll.u32 v50, $0x7  }
0x12a: {  	v57 =	vadd.s32 v12, v56;
	_ =	sdelay $0x3  }
0x12b: {  	[tilespmem:v55+s14+$0x0] =	vst.idx.msk $0xffff, v54  }
0x12c: {  	v49 =	vadd.s32 $0x8, v49;
	v54 =	vld.idx.msk [tilespmem:v57+s12+$0x0], $0xffff  }
0x12d: {  	v55 =	vadd.s32 v21, v56;
	v56 =	vshll.u32 v49, $0x7  }
0x12e: {  	v57 =	vadd.s32 v13, v56;
	_ =	sdelay $0x3  }
0x12f: {  	[tilespmem:v55+s14+$0x0] =	vst.idx.msk $0xffff, v54  }
0x130: {  	v48 =	vadd.s32 $0x8, v48;
	v54 =	vld.idx.msk [tilespmem:v57+s12+$0x0], $0xffff  }
0x131: {  	v55 =	vadd.s32 v22, v56;
	v56 =	vshll.u32 v48, $0x7  }
0x132: {  	v57 =	vadd.s32 v14, v56;
	_ =	sdelay $0x3  }
0x133: {  	[tilespmem:v55+s14+$0x0] =	vst.idx.msk $0xffff, v54  }
0x134: {  	v47 =	vadd.s32 $0x8, v47;
	v54 =	vld.idx.msk [tilespmem:v57+s12+$0x0], $0xffff  }
0x135: {  	v55 =	vadd.s32 v23, v56;
	v56 =	vshll.u32 v47, $0x7  }
0x136: {  	v57 =	vadd.s32 v15, v56;
	_ =	sdelay $0x3  }
0x137: {  	[tilespmem:v55+s14+$0x0] =	vst.idx.msk $0xffff, v54  }
0x138: {  	v46 =	vadd.s32 $0x8, v46;
	v54 =	vld.idx.msk [tilespmem:v57+s12+$0x0], $0xffff  }
0x139: {  	v55 =	vadd.s32 v24, v56;
	v56 =	vshll.u32 v46, $0x7  }
0x13a: {  	v57 =	vadd.s32 v16, v56;
	_ =	sdelay $0x3  }
0x13b: {  	[tilespmem:v55+s14+$0x0] =	vst.idx.msk $0xffff, v54  }
0x13c: {  	v45 =	vadd.s32 $0x8, v45;
	v54 =	vld.idx.msk [tilespmem:v57+s12+$0x0], $0xffff  }
0x13d: {  	v55 =	vadd.s32 v25, v56;
	v56 =	vshll.u32 v45, $0x7  }
0x13e: {  	v57 =	vadd.s32 v17, v56;
	_ =	sdelay $0x1  }
.Ltmp4:
0x13f: {  	(pc) =	sbr.rel @p1 .LBB2_7-.Ltmp4, $4  }
0x140: {  	_ = 	snop  }
0x141: {  	[tilespmem:v55+s14+$0x0] =	vst.idx.msk $0xffff, v54  }
0x142: {  	v52 =	vadd.s32 $0x8, v52;
	v55 =	vld.idx.msk [tilespmem:v57+s12+$0x0], $0xffff  }
0x143: {  	s26 =	sadd.s32 $0xFFFFFFFF, s26;
	v56 =	vadd.s32 v26, v56;
	v54 =	vshll.u32 v52, $0x7  }
0x144: {  	v52 =	vadd.s32 v9, v54;
	_ =	sdelay $0x3  }
0x145: {  	v53 =	vadd.s32 $0x8, v53;
	[tilespmem:v56+s14+$0x0] =	vst.idx.msk $0xffff, v55  }
0x146: {  	v62 =	vadd.s32 v18, v54;
	v53 =	vshll.u32 v53, $0x7;
	v52 =	vld.idx.msk [tilespmem:v52+s12+$0x0], $0xffff  }
0x147: {  	v63 =	vadd.s32 v10, v53;
	_ =	sdelay $0x3  }
0x148: {  	v51 =	vadd.s32 $0x8, v51;
	[tilespmem:v62+s14+$0x0] =	vst.idx.msk $0xffff, v52  }
0x149: {  	v51 =	vshll.u32 v51, $0x7;
	v53 =	vadd.s32 v19, v53;
	v52 =	vld.idx.msk [tilespmem:v63+s12+$0x0], $0xffff  }
0x14a: {  	v57 =	vadd.s32 v11, v51;
	_ =	sdelay $0x3  }
0x14b: {  	v50 =	vadd.s32 $0x8, v50;
	[tilespmem:v53+s14+$0x0] =	vst.idx.msk $0xffff, v52  }
0x14c: {  	v50 =	vshll.u32 v50, $0x7;
	v51 =	vadd.s32 v20, v51;
	v52 =	vld.idx.msk [tilespmem:v57+s12+$0x0], $0xffff  }
0x14d: {  	v58 =	vadd.s32 v12, v50;
	_ =	sdelay $0x3  }
0x14e: {  	v49 =	vadd.s32 $0x8, v49;
	[tilespmem:v51+s14+$0x0] =	vst.idx.msk $0xffff, v52  }
0x14f: {  	v49 =	vshll.u32 v49, $0x7;
	v50 =	vadd.s32 v21, v50;
	v51 =	vld.idx.msk [tilespmem:v58+s12+$0x0], $0xffff  }
0x150: {  	v59 =	vadd.s32 v13, v49;
	_ =	sdelay $0x3  }
0x151: {  	v48 =	vadd.s32 $0x8, v48;
	[tilespmem:v50+s14+$0x0] =	vst.idx.msk $0xffff, v51  }
0x152: {  	v48 =	vshll.u32 v48, $0x7;
	v49 =	vadd.s32 v22, v49;
	v50 =	vld.idx.msk [tilespmem:v59+s12+$0x0], $0xffff  }
0x153: {  	v60 =	vadd.s32 v14, v48;
	_ =	sdelay $0x3  }
0x154: {  	v47 =	vadd.s32 $0x8, v47;
	[tilespmem:v49+s14+$0x0] =	vst.idx.msk $0xffff, v50  }
0x155: {  	v47 =	vshll.u32 v47, $0x7;
	v48 =	vadd.s32 v23, v48;
	v49 =	vld.idx.msk [tilespmem:v60+s12+$0x0], $0xffff  }
0x156: {  	v61 =	vadd.s32 v15, v47;
	_ =	sdelay $0x3  }
0x157: {  	v46 =	vadd.s32 $0x8, v46;
	[tilespmem:v48+s14+$0x0] =	vst.idx.msk $0xffff, v49  }
0x158: {  	v46 =	vshll.u32 v46, $0x7;
	v47 =	vadd.s32 v24, v47;
	v48 =	vld.idx.msk [tilespmem:v61+s12+$0x0], $0xffff  }
0x159: {  	v62 =	vadd.s32 v16, v46;
	_ =	sdelay $0x3  }
0x15a: {  	v45 =	vadd.s32 $0x8, v45;
	[tilespmem:v47+s14+$0x0] =	vst.idx.msk $0xffff, v48  }
0x15b: {  	v45 =	vshll.u32 v45, $0x7;
	v46 =	vadd.s32 v25, v46;
	v47 =	vld.idx.msk [tilespmem:v62+s12+$0x0], $0xffff  }
0x15c: {  	v63 =	vadd.s32 v17, v45;
	_ =	sdelay $0x3  }
0x15d: {  	[tilespmem:v46+s14+$0x0] =	vst.idx.msk $0xffff, v47  }
0x15e: {  	v45 =	vadd.s32 v26, v45;
	v46 =	vld.idx.msk [tilespmem:v63+s12+$0x0], $0xffff;
	_ =	sdelay $0x4  }
0x15f: {  	[tilespmem:v45+s14+$0x0] =	vst.idx.msk $0xffff, v46  }
0x160: {  	[hbm4b:s25+s4] =	stream.linear.scatter [tilespmem:s14], [sflag:$0x3], $0x4C00, $0x38;
	[tilespmem:$0x1CA00] =	vst v63  }
0x161: {  	_ =	swait.ge [sflag:s19], $0x4A00  }
0x162: {  	[sflag:s19] =	ssyncset.done $0x0  }
0x163: {  	[sflag:s19] =	ssyncadd.s32 $0xFFFFB600  }
0x164: {  	v27 =	vld.idx.msk [tilespmem:v27+s20+$0x0], $0xffff;
	_ =	sdelay $0x4  }
0x165: {  	[tilespmem:v28+s16+$0x0] =	vst.idx.msk $0xffff, v27  }
0x166: {  	v27 =	vld.idx.msk [tilespmem:v29+s20+$0x0], $0xffff;
	_ =	sdelay $0x4  }
0x167: {  	[tilespmem:v30+s16+$0x0] =	vst.idx.msk $0xffff, v27  }
0x168: {  	v27 =	vld.idx.msk [tilespmem:v31+s20+$0x0], $0xffff;
	_ =	sdelay $0x4  }
0x169: {  	[tilespmem:v32+s16+$0x0] =	vst.idx.msk $0xffff, v27  }
0x16a: {  	v27 =	vld.idx.msk [tilespmem:v33+s20+$0x0], $0xffff;
	_ =	sdelay $0x4  }
0x16b: {  	[tilespmem:v34+s16+$0x0] =	vst.idx.msk $0xffff, v27  }
0x16c: {  	v27 =	vld.idx.msk [tilespmem:v35+s20+$0x0], $0xffff;
	_ =	sdelay $0x4  }
0x16d: {  	[tilespmem:v36+s16+$0x0] =	vst.idx.msk $0xffff, v27  }
0x16e: {  	v27 =	vld.idx.msk [tilespmem:v37+s20+$0x0], $0xffff;
	_ =	sdelay $0x4  }
0x16f: {  	[tilespmem:v38+s16+$0x0] =	vst.idx.msk $0xffff, v27  }
0x170: {  	v27 =	vld.idx.msk [tilespmem:v39+s20+$0x0], $0xffff;
	_ =	sdelay $0x4  }
0x171: {  	[tilespmem:v41+s16+$0x0] =	vst.idx.msk $0xffff, v27  }
0x172: {  	v27 =	vld.idx.msk [tilespmem:v42+s20+$0x0], $0xffff;
	_ =	sdelay $0x3  }
0x173: {  	v28 =	vmov v8  }
0x174: {  	v29 =	vmovc v7;
	v30 =	vmovc v6;
	v31 =	vmov v5;
	v32 =	vmov v4;
	[tilespmem:v44+s16+$0x0] =	vst.idx.msk $0xffff, v27;
	v27 =	vadd.s32 $0x8, v0  }
0x175: {  	s24 =	sadd.s32 $0x1C80, s24;
	s25 =	simm.s32 $0x10;
	v33 =	vmovc v3;
	v34 =	vmovc v2;
	v35 =	vmov v1;
	v38 =	vadd.s32 v26, v40;
	v37 =	vld.idx.msk [tilespmem:v43+s20+$0x0], $0xffff;
	v36 =	vshll.u32 v27, $0x7  }
.LBB2_9:
0x176: {  	p1 =	sne.s32 s25, $0x1;
	v39 =	vadd.s32 v9, v36;
	_ =	sdelay $0x3  }
0x177: {  	[tilespmem:v38+s16+$0x0] =	vst.idx.msk $0xffff, v37  }
0x178: {  	v35 =	vadd.s32 $0x8, v35;
	v37 =	vld.idx.msk [tilespmem:v39+s20+$0x0], $0xffff  }
0x179: {  	v36 =	vadd.s32 v18, v36;
	v38 =	vshll.u32 v35, $0x7  }
0x17a: {  	v39 =	vadd.s32 v10, v38;
	_ =	sdelay $0x3  }
0x17b: {  	[tilespmem:v36+s16+$0x0] =	vst.idx.msk $0xffff, v37  }
0x17c: {  	v34 =	vadd.s32 $0x8, v34;
	v36 =	vld.idx.msk [tilespmem:v39+s20+$0x0], $0xffff  }
0x17d: {  	v37 =	vadd.s32 v19, v38;
	v38 =	vshll.u32 v34, $0x7  }
0x17e: {  	v39 =	vadd.s32 v11, v38;
	_ =	sdelay $0x3  }
0x17f: {  	[tilespmem:v37+s16+$0x0] =	vst.idx.msk $0xffff, v36  }
0x180: {  	v33 =	vadd.s32 $0x8, v33;
	v36 =	vld.idx.msk [tilespmem:v39+s20+$0x0], $0xffff  }
0x181: {  	v37 =	vadd.s32 v20, v38;
	v38 =	vshll.u32 v33, $0x7  }
0x182: {  	v39 =	vadd.s32 v12, v38;
	_ =	sdelay $0x3  }
0x183: {  	[tilespmem:v37+s16+$0x0] =	vst.idx.msk $0xffff, v36  }
0x184: {  	v32 =	vadd.s32 $0x8, v32;
	v36 =	vld.idx.msk [tilespmem:v39+s20+$0x0], $0xffff  }
0x185: {  	v37 =	vadd.s32 v21, v38;
	v38 =	vshll.u32 v32, $0x7  }
0x186: {  	v39 =	vadd.s32 v13, v38;
	_ =	sdelay $0x3  }
0x187: {  	[tilespmem:v37+s16+$0x0] =	vst.idx.msk $0xffff, v36  }
0x188: {  	v31 =	vadd.s32 $0x8, v31;
	v36 =	vld.idx.msk [tilespmem:v39+s20+$0x0], $0xffff  }
0x189: {  	v37 =	vadd.s32 v22, v38;
	v38 =	vshll.u32 v31, $0x7  }
0x18a: {  	v39 =	vadd.s32 v14, v38;
	_ =	sdelay $0x3  }
0x18b: {  	[tilespmem:v37+s16+$0x0] =	vst.idx.msk $0xffff, v36  }
0x18c: {  	v30 =	vadd.s32 $0x8, v30;
	v36 =	vld.idx.msk [tilespmem:v39+s20+$0x0], $0xffff  }
0x18d: {  	v37 =	vadd.s32 v23, v38;
	v38 =	vshll.u32 v30, $0x7  }
0x18e: {  	v39 =	vadd.s32 v15, v38;
	_ =	sdelay $0x3  }
0x18f: {  	[tilespmem:v37+s16+$0x0] =	vst.idx.msk $0xffff, v36  }
0x190: {  	v29 =	vadd.s32 $0x8, v29;
	v36 =	vld.idx.msk [tilespmem:v39+s20+$0x0], $0xffff  }
0x191: {  	v37 =	vadd.s32 v24, v38;
	v38 =	vshll.u32 v29, $0x7  }
0x192: {  	v39 =	vadd.s32 v16, v38;
	_ =	sdelay $0x3  }
0x193: {  	[tilespmem:v37+s16+$0x0] =	vst.idx.msk $0xffff, v36  }
0x194: {  	v28 =	vadd.s32 $0x8, v28;
	v36 =	vld.idx.msk [tilespmem:v39+s20+$0x0], $0xffff  }
0x195: {  	v37 =	vadd.s32 v25, v38;
	v38 =	vshll.u32 v28, $0x7  }
0x196: {  	v39 =	vadd.s32 v17, v38;
	_ =	sdelay $0x1  }
.Ltmp5:
0x197: {  	(pc) =	sbr.rel @p1 .LBB2_9-.Ltmp5, $4  }
0x198: {  	_ = 	snop  }
0x199: {  	[tilespmem:v37+s16+$0x0] =	vst.idx.msk $0xffff, v36  }
0x19a: {  	v27 =	vadd.s32 $0x8, v27;
	v37 =	vld.idx.msk [tilespmem:v39+s20+$0x0], $0xffff  }
0x19b: {  	s25 =	sadd.s32 $0xFFFFFFFF, s25;
	v38 =	vadd.s32 v26, v38;
	v36 =	vshll.u32 v27, $0x7  }
0x19c: {  	v39 =	vadd.s32 v9, v36;
	_ =	sdelay $0x3  }
0x19d: {  	v35 =	vadd.s32 $0x8, v35;
	[tilespmem:v38+s16+$0x0] =	vst.idx.msk $0xffff, v37  }
0x19e: {  	v54 =	vadd.s32 v18, v36;
	v55 =	vshll.u32 v35, $0x7;
	v37 =	vld.idx.msk [tilespmem:v39+s20+$0x0], $0xffff  }
0x19f: {  	v56 =	vadd.s32 v10, v55;
	_ =	sdelay $0x3  }
0x1a0: {  	v34 =	vadd.s32 $0x8, v34;
	[tilespmem:v54+s16+$0x0] =	vst.idx.msk $0xffff, v37  }
0x1a1: {  	v58 =	vshll.u32 v34, $0x7;
	v57 =	vadd.s32 v19, v55;
	v36 =	vld.idx.msk [tilespmem:v56+s20+$0x0], $0xffff  }
0x1a2: {  	v59 =	vadd.s32 v11, v58;
	_ =	sdelay $0x3  }
0x1a3: {  	v33 =	vadd.s32 $0x8, v33;
	[tilespmem:v57+s16+$0x0] =	vst.idx.msk $0xffff, v36  }
0x1a4: {  	v61 =	vshll.u32 v33, $0x7;
	v60 =	vadd.s32 v20, v58;
	v36 =	vld.idx.msk [tilespmem:v59+s20+$0x0], $0xffff  }
0x1a5: {  	v62 =	vadd.s32 v12, v61;
	_ =	sdelay $0x3  }
0x1a6: {  	v32 =	vadd.s32 $0x8, v32;
	[tilespmem:v60+s16+$0x0] =	vst.idx.msk $0xffff, v36  }
0x1a7: {  	v42 =	vshll.u32 v32, $0x7;
	v63 =	vadd.s32 v21, v61;
	v36 =	vld.idx.msk [tilespmem:v62+s20+$0x0], $0xffff  }
0x1a8: {  	v43 =	vadd.s32 v13, v42;
	_ =	sdelay $0x3  }
0x1a9: {  	v31 =	vadd.s32 $0x8, v31;
	[tilespmem:v63+s16+$0x0] =	vst.idx.msk $0xffff, v36  }
0x1aa: {  	v31 =	vshll.u32 v31, $0x7;
	v44 =	vadd.s32 v22, v42;
	v36 =	vld.idx.msk [tilespmem:v43+s20+$0x0], $0xffff  }
0x1ab: {  	v45 =	vadd.s32 v14, v31;
	_ =	sdelay $0x3  }
0x1ac: {  	v30 =	vadd.s32 $0x8, v30;
	[tilespmem:v44+s16+$0x0] =	vst.idx.msk $0xffff, v36  }
0x1ad: {  	v30 =	vshll.u32 v30, $0x7;
	v31 =	vadd.s32 v23, v31;
	v36 =	vld.idx.msk [tilespmem:v45+s20+$0x0], $0xffff  }
0x1ae: {  	v46 =	vadd.s32 v15, v30;
	_ =	sdelay $0x3  }
0x1af: {  	v29 =	vadd.s32 $0x8, v29;
	[tilespmem:v31+s16+$0x0] =	vst.idx.msk $0xffff, v36  }
0x1b0: {  	v29 =	vshll.u32 v29, $0x7;
	v30 =	vadd.s32 v24, v30;
	v31 =	vld.idx.msk [tilespmem:v46+s20+$0x0], $0xffff  }
0x1b1: {  	v47 =	vadd.s32 v16, v29;
	_ =	sdelay $0x3  }
0x1b2: {  	v28 =	vadd.s32 $0x8, v28;
	[tilespmem:v30+s16+$0x0] =	vst.idx.msk $0xffff, v31  }
0x1b3: {  	v28 =	vshll.u32 v28, $0x7;
	v29 =	vadd.s32 v25, v29;
	v30 =	vld.idx.msk [tilespmem:v47+s20+$0x0], $0xffff  }
0x1b4: {  	v48 =	vadd.s32 v17, v28;
	_ =	sdelay $0x3  }
0x1b5: {  	v27 =	vadd.s32 $0x8, v27;
	[tilespmem:v29+s16+$0x0] =	vst.idx.msk $0xffff, v30  }
0x1b6: {  	v27 =	vshll.u32 v27, $0x7;
	v28 =	vadd.s32 v26, v28;
	v29 =	vld.idx.msk [tilespmem:v48+s20+$0x0], $0xffff  }
0x1b7: {  	v49 =	vadd.s32 v9, v27;
	_ =	sdelay $0x3  }
0x1b8: {  	v50 =	vadd.s32 $0x8, v35;
	[tilespmem:v28+s16+$0x0] =	vst.idx.msk $0xffff, v29  }
0x1b9: {  	v27 =	vadd.s32 v18, v27;
	v28 =	vshll.u32 v50, $0x7;
	v29 =	vld.idx.msk [tilespmem:v49+s20+$0x0], $0xffff  }
0x1ba: {  	v51 =	vadd.s32 v10, v28;
	_ =	sdelay $0x3  }
0x1bb: {  	v52 =	vadd.s32 $0x8, v34;
	[tilespmem:v27+s16+$0x0] =	vst.idx.msk $0xffff, v29  }
0x1bc: {  	v53 =	vshll.u32 v52, $0x7;
	v28 =	vadd.s32 v19, v28;
	v27 =	vld.idx.msk [tilespmem:v51+s20+$0x0], $0xffff  }
0x1bd: {  	v54 =	vadd.s32 v11, v53;
	_ =	sdelay $0x3  }
0x1be: {  	v55 =	vadd.s32 $0x8, v33;
	[tilespmem:v28+s16+$0x0] =	vst.idx.msk $0xffff, v27  }
0x1bf: {  	v56 =	vadd.s32 v20, v53;
	v57 =	vshll.u32 v55, $0x7;
	v27 =	vld.idx.msk [tilespmem:v54+s20+$0x0], $0xffff  }
0x1c0: {  	v58 =	vadd.s32 v12, v57;
	_ =	sdelay $0x3  }
0x1c1: {  	v59 =	vadd.s32 $0x8, v32;
	[tilespmem:v56+s16+$0x0] =	vst.idx.msk $0xffff, v27  }
0x1c2: {  	v61 =	vshll.u32 v59, $0x7;
	v60 =	vadd.s32 v21, v57;
	v27 =	vld.idx.msk [tilespmem:v58+s20+$0x0], $0xffff  }
0x1c3: {  	v62 =	vadd.s32 v13, v61;
	_ =	sdelay $0x3  }
0x1c4: {  	[tilespmem:v60+s16+$0x0] =	vst.idx.msk $0xffff, v27  }
0x1c5: {  	v63 =	vadd.s32 v22, v61;
	v27 =	vld.idx.msk [tilespmem:v62+s20+$0x0], $0xffff;
	_ =	sdelay $0x1  }
.Ltmp6:
0x1c6: {  	_ = 	snop;
	(pc) =	sbr.rel @p0 .LBB2_12-.Ltmp6, $3  }
0x1c7: {  	_ =	sdelay $0x1  }
0x1c8: {  	[tilespmem:v63+s16+$0x0] =	vst.idx.msk $0xff, v27  }
0x1c9: {  	[hbm4b:s24+s4] =	stream.linear.scatter [tilespmem:s16], [sflag:$0x4], $0x4A00, $0x38;
	[tilespmem:$0x1CA00] =	vst v63  }
0x1ca: {  	s23 =	smul.u32 $0x9800, s23  }
.Ltmp7:
0x1cb: {  	_ = 	snop;
	(pc) =	sbr.rel .LBB2_2-.Ltmp7, $4  }
0x1cc: {  	s23 =	sshrl.u32 s23, $0x3  }
0x1cd: {  	s23 =	sadd.s32 s5, s23  }
0x1ce: {  	s22 =	sadd.s32 $0x1, s22;
	s23 =	sadd.s32 $0x3900, s23  }
0x1cf: {  	[tilespmem:s12], [sflag:$0x2] =	stream.linear.gather [hbm4b:s23+s4], $0x9600, $0x38;
	[tilespmem:$0x1CA00] =	vst v63  }
.LBB2_13:
0x1d0: {  	_ =	sfence.sel $0x180000  }
0x1d1: {  	[bflag:$0x0] =	sbarrier.arrive $0xFFFF  }
0x1d2: {  	p0 =	sne.s32 s0, $0x0;
	_ =	strace $0x90000047  }
0x1d3: {  	s0 =	sadd.s32 @!p0 $0x100000, s1;
	[bflag:$0x2] =	sbarrier.arrive $0xFFFF  }
0x1d4: {  	[sflag:s0] =	ssyncadd.tile.s32 @!p0 $0x1;
	_ =	shalt  }
.Lfunc_end2:
_tile_overlayer_lowered:
.L_overlay_start_2:
0x1d5: {  	(tag) =	ssettag $0x2  }
0x1d6: {  	s0 =	rddreg [dreg:$0x0];
	s2 =	stileid.u32  }
0x1d7: {  	s1 =	rddreg [dreg:$0x1];
	p0 =	sne.s32 s2, $0x0  }
0x1d8: {  	s3 =	rddreg [dreg:$0x2];
	[bflag:$0x3] =	sbarrier.arrive $0xFFFF;
	s2 =	simm.s32 @!p0 $0x1C05  }
0x1d9: {  	[timem:s3], [sflag:s2] =	dma.local @!p0 [hbm:s0], s1  }
0x1da: {  	s0 =	simm.s32 @!p0 $0x5  }
0x1db: {  	_ =	swait.ge @!p0 [sflag:s0], s1  }
0x1dc: {  	s1 =	ssub.s32 @!p0 $0x0, s1;
	[sflag:s0] =	ssyncset.done @!p0 $0x0  }
0x1dd: {  	[sflag:s0] =	ssyncadd.s32 @!p0 s1  }
0x1de: {  	[bflag:$0x3] =	sbarrier.arrive $0xFFFF  }
0x1df: {  	_ =	shalt  }

// kernel: sparse-core-data-format-call.cloned.1.call-start
scs
called_computation_lowered:
.L_overlay_start_0:
0x0: {  	s2 =	sld [smem:$0x3FD9]  }
0x1: {  	s3 =	sld [smem:$0x3FFE];
	_ =	sdelay $0x1  }
0x2: {  	s1 =	srdreg.scid  }
0x3: {  	s0 =	sand.u32 $0x1, s1  }
0x4: {  	s18 =	sshll.u32 s0, $0xA;
	s2 =	sadd.s32 s3, s2  }
0x5: {  	s2 =	sadd.s32 s2, s18  }
0x6: {  	[smem:$0x3FC7] =	sst s2  }
0x7: {  	_ = 	snop  }
0x8: {  	s2 =	sld [smem:$0x3FD0];
	(tm) =	ssettm $0x1  }
0x9: {  	s19 =	sld [smem:$0x3FFB];
	_ =	sdelay $0x3  }
0xa: {  	_ =	strace s19  }
0xb: {  	s3 =	sld [smem:$0x3FFC];
	_ =	sdelay $0x3  }
0xc: {  	_ =	strace s3  }
0xd: {  	s3 =	sld [smem:$0x3FFD];
	_ =	sdelay $0x3  }
0xe: {  	_ =	strace s3  }
0xf: {  	_ =	strace $0x8FFFFFFF  }
0x10: {  	s20 =	sld [smem:$0x3FDB];
	_ =	sdelay $0x1  }
0x11: {  	s4 =	simm.s32 $_scs_section_size  }
0x12: {  	s5 =	simm.s32 $_size__tile_overlayer_lowered;
	s6 =	simm.s32 $_tile_overlayer_lowered  }
0x13: {  	s23 =	simm.s32 $0x1BFF;
	s22 =	sshll.u32 s6, $0x1;
	s3 =	sadd.s32 s4, s20  }
0x14: {  	s7 =	simm.s32 $0x0;
	s21 =	sshll.u32 s5, $0x1;
	s5 =	sadd.s32 s22, s3  }
0x15: {  	[timem:s7], [sflag:s23] =	dma.local [hbm:s5], s21  }
0x16: {  	_ =	swait.ge [sflag:s23], s21  }
0x17: {  	s4 =	ssub.s32 $0x0, s21;
	[sflag:s23] =	ssyncset.done $0x0  }
0x18: {  	[sflag:s23] =	ssyncadd.s32 s4;
	_ =	sdelay $0x1  }
0x19: {  	s24 =	simm.s32 $0x1B8B  }
0x1a: {  	_ =	swait.ge [sflag:s24], $0x1  }
0x1b: {  	[sflag:s24] =	ssyncset.done $0x0  }
0x1c: {  	s26 =	simm.s32 $0x1B8E;
	s25 =	sld [smem:$0x3FFE];
	[sflag:s24] =	ssyncadd.s32 $0xFFFFFFFF  }
0x1d: {  	s27 =	simm.s32 $execute0_lowered;
	[smem:$0x3FD2] =	sst s26  }
0x1e: {  	s5 =	sshll.u32 s27, $0x1;
	_ =	strace $0x80000049;
	[dreg:$0x1] =	wrdreg $0xFFFFFFFF  }
0x1f: {  	s28 =	simm.s32 $_size_execute0_lowered;
	s3 =	sadd.s32 s3, s5;
	[dreg:$0x0] =	wrdreg $0x0  }
0x20: {  	s5 =	sshll.u32 s28, $0x1;
	[dreg:$0x2] =	wrdreg s3  }
0x21: {  	[dreg:$0x3] =	wrdreg s5  }
0x22: {  	[dreg:$0x4] =	wrdreg $0xC0  }
0x23: {  	_ =	task [dreg:s7], $0x5FFFF  }
0x24: {  	[dreg:$0x1] =	wrdreg $0xFFFFFFFF  }
0x25: {  	[dreg:$0x0] =	wrdreg $0x60  }
0x26: {  	[dreg:$0x2] =	wrdreg s25  }
0x27: {  	[dreg:$0x3] =	wrdreg s2  }
0x28: {  	[dreg:$0x4] =	wrdreg $0x9  }
0x29: {  	_ =	task.clear_ibuf [dreg:s7], $0x5FFFF;
	_ =	strace $0x90000049  }
0x2a: {  	s29 =	simm.s32 $0x9;
	_ =	strace $0x8000004B  }
0x2b: {  	_ =	swait.ge [sflag:s29], $0x1  }
0x2c: {  	[sflag:s29] =	ssyncadd.s32 $0xFFFFFFFF  }
0x2d: {  	_ =	strace $0x9000004B  }
0x2e: {  	_ =	sfence  }
0x2f: {  	s30 =	sld [smem:$0x0];
	_ =	sdelay $0x2  }
0x30: {  	s31 =	sshll.u32 s1, $0xD;
	s1 =	sshrl.u32 s1, $0x2  }
0x31: {  	s3 =	sand.u32 $0x4000, s31;
	s1 =	sadd.s32 s1, s30  }
0x32: {  	s0 =	sor.u32 s3, s0;
	s1 =	sshll.u32 s1, $0x11  }
0x33: {  	s0 =	sor.u32 s1, s0  }
0x34: {  	s0 =	sadd.s32 $0x8F2B, s0  }
0x35: {  	[sflag:s0] =	ssyncadd.remote.s32 $0x1  }
0x36: {  	_ =	sfence.sel $0xFFFF  }
0x37: {  	[dreg:$0x0] =	wrdreg $0xFFFFFFFF;
	(pc) =	sbr.abs _section_cstart, $3  }
0x38: {  	[dreg:$0x1] =	wrdreg $0xFFFFFFFF  }
0x39: {  	_ =	task.clear_ibuf [dreg:s7], $0x2FFFF;
	_ =	strace $0x9FFFFFFF  }
0x3a: {  	(tm) =	ssettm $0x7FFFFFFF  }
0x3b: {  	_ =	shalt  }
tec
execute0_lowered:
.L_overlay_start_1:
0x0: {  	(tag) =	ssettag $0x1  }
0x1: {  	s0 =	stileid.u32  }
0x2: {  	s2 =	srdreg.scid;
	s10 =	rddreg [dreg:$0x0]  }
0x3: {  	s8 =	simm.s32 $0x2;
	s22 =	simm.s32 $0x0;
	s12 =	simm.s32 $0x4000  }
0x4: {  	s20 =	simm.s32 $0x0;
	s21 =	simm.s32 $0x0;
	s13 =	simm.s32 $0x0  }
0x5: {  	s14 =	simm.s32 $0x0;
	s1 =	sshll.u32 s0, $0x2;
	s2 =	sshll.u32 s2, $0x7  }
0x6: {  	s15 =	simm.s32 $0x0;
	s2 =	sand.u32 $0x80, s2;
	s3 =	ssub.s32 $0x40, s1  }
0x7: {  	s5 =	sshrl.u32 s3, $0x6;
	s3 =	sand.u32 $0x3C, s3;
	s4 =	ssub.s32 $0x100, s2  }
0x8: {  	p0 =	sne.s32 s3, $0x0;
	s3 =	simm.s32 $0x1;
	s6 =	sshrl.u32 s4, $0x7  }
0x9: {  	s7 =	sshrl.u32 s4, $0x8;
	s3 =	simm.s32 @!p0 $0x0;
	s6 =	sand.u32 $0x1, s6  }
0xa: {  	s16 =	simm.s32 $0x0;
	s5 =	sadd.s32 s3, s5;
	s6 =	sadd.s32 s7, s6  }
0xb: {  	s19 =	simm.s32 $0x0;
	s9 =	sadd.s32 $0x4E60A00, s10;
	s7 =	smul.u32 s6, s5  }
.Ltmp0:
0xc: {  	s18 =	smov.u32 s1;
	s4 =	rddreg [dreg:$0x1];
	(pc) =	sbr.rel .LBB1_1-.Ltmp0, $4  }
0xd: {  	s3 =	rddreg [dreg:$0x2];
	_ =	strace $0x8000004A;
	s6 =	simm.s32 $0x1  }
0xe: {  	s17 =	smov.u32 s2;
	[sflag:s6] =	ssyncpa.u1 $0x0;
	s7 =	smul.u32 $0x12C, s7  }
0xf: {  	p0 =	por $0x0, $0x0;
	s5 =	sadd.s32 $0x4C00A00, s10;
	[sflag:s8] =	ssyncpa.u1 $0x0  }
0x10: {  	s8 =	sadd.s32 $0x4D30A00, s10;
	s10 =	sadd.s32 $0x4F90A00, s10;
	s11 =	sor.u32 $0x1, s7  }
.LBB1_7:
0x11: {  	p1 =	slt.u32 s19, $0x2  }
0x12: {  	s23 =	smov.u32 s22;
	p2 =	sgt.s32 @!p1 s22, $0x12B;
	s24 =	sshra.s32 @!p1 s22, $0x1F  }
0x13: {  	s25 =	sshra.s32 @!p1 s20, $0x1F;
	p2 =	por !p2, p1;
	s22 =	sand.u32 @!p1 s24, s22  }
0x14: {  	s24 =	sshra.s32 @!p1 s21, $0x1F;
	s23 =	simm.s32 @p2 $0x12B;
	p2 =	sgt.s32 @!p1 s21, $0x3C  }
0x15: {  	s22 =	ssub.s32 @!p1 s23, s22;
	p2 =	por !p2, p1;
	s23 =	smov.u32 s21  }
0x16: {  	s21 =	sand.u32 @!p1 s24, s21;
	s23 =	simm.s32 @p2 $0x3C;
	p2 =	sgt.s32 @!p1 s20, $0x80  }
0x17: {  	s24 =	smov.u32 s20;
	s20 =	sand.u32 @!p1 s25, s20;
	p2 =	por !p2, p1  }
0x18: {  	s21 =	ssub.s32 @!p1 s23, s21;
	s23 =	sadd.s32 @!p1 $0xFFFFFED5, s22;
	s24 =	simm.s32 @p2 $0x80  }
0x19: {  	s22 =	ssub.s32 @!p1 $0x12C, s22;
	s20 =	ssub.s32 @!p1 s24, s20;
	s24 =	sadd.s32 @!p1 $0xFFFFFFC4, s21  }
0x1a: {  	s22 =	smul.u32 @!p1 $0x12, s22;
	p2 =	sgt.s32 @!p1 s24, $0x3;
	s24 =	sadd.s32 @!p1 $0xFFFFFF80, s20  }
0x1b: {  	s21 =	ssub.s32 @!p1 $0x40, s21;
	p2 =	por !p2, p1;
	p3 =	sgt.s32 @!p1 s24, $0x7F  }
0x1c: {  	s20 =	ssub.s32 @!p1 $0x100, s20;
	s21 =	simm.s32 @!p2 $0x0;
	p2 =	por !p3, p1  }
0x1d: {  	s24 =	smov.u32 s17;
	p3 =	sgt.s32 @!p1 s23, $0x0;
	s20 =	simm.s32 @!p2 $0x0  }
0x1e: {  	s23 =	sadd.s32 $0x1, s16;
	p2 =	por !p3, p1;
	s20 =	smul.u32 @!p1 s21, s20  }
0x1f: {  	s22 =	simm.s32 @!p2 $0x0;
	p2 =	sgt.s32 s23, $0x12B;
	s21 =	sadd.s32 $0x100, s17  }
0x20: {  	p0 =	por !p0, !p0;
	s24 =	smov.u32 @p2 s21  }
0x21: {  	s25 =	smov.u32 s18;
	s21 =	sadd.s32 $0x40, s18;
	p3 =	sgt.s32 s24, $0xFF  }
0x22: {  	s26 =	simm.s32 @!p1 $0x2;
	s23 =	simm.s32 @p2 $0x0;
	s25 =	smov.u32 @p3 s21  }
0x23: {  	s20 =	smul.u32 @!p1 s22, s20;
	s22 =	smov.u32 s13;
	p2 =	sgt.s32 s25, $0x3F  }
0x24: {  	s13 =	smov.u32 s16;
	s25 =	smov.u32 @p2 s1;
	p2 =	sne.s32 s19, s11  }
.Ltmp1:
0x25: {  	s16 =	smov.u32 s23;
	s24 =	smov.u32 @p3 s2;
	(pc) =	sbr.rel @!p2 .LBB1_8-.Ltmp1, $4  }
0x26: {  	s21 =	smov.u32 s15;
	s15 =	smov.u32 s18;
	s20 =	sand.u32 @!p1 $0x3FFFFFFE, s20  }
0x27: {  	_ =	swait.ge @!p1 [sflag:s26], s20;
	s27 =	ssub.s32 @!p1 $0x0, s20;
	s20 =	smov.u32 s14  }
0x28: {  	s19 =	sadd.s32 $0x1, s19;
	s14 =	smov.u32 s17;
	[sflag:s26] =	ssyncset.done @!p1 $0x0  }
0x29: {  	s17 =	smov.u32 s24;
	s18 =	smov.u32 s25;
	[sflag:s26] =	ssyncadd.s32 @!p1 s27  }
.LBB1_1:
0x2a: {  	p1 =	sge.u32 s19, s7  }
0x2b: {  	s23 =	sand.u32 @!p1 $0x1FFFFFF, s16  }
0x2c: {  	s24 =	smulhi.u32 @!p1 $0xD79436, s23  }
0x2d: {  	s25 =	smul.u32 @!p1 $0x130000, s18  }
0x2e: {  	s24 =	smul.u32 @!p1 $0x130, s24  }
0x2f: {  	s26 =	sxor.u32 @!p1 $0xFFFFFFFF, s19;
	s27 =	smul.u32 @!p1 $0x1300, s17  }
0x30: {  	s28 =	simm.s32 @!p1 $0x20;
	s23 =	ssub.s32 @!p1 s23, s24;
	s24 =	sadd.s32 @!p1 s5, s25  }
0x31: {  	s26 =	sshll.u32 @!p1 s26, $0xE;
	s23 =	sshll.u32 @!p1 s23, $0x4;
	s24 =	sadd.s32 @!p1 s27, s24  }
0x32: {  	s29 =	simm.s32 @!p1 $0x9800;
	s26 =	sand.u32 @!p1 $0x4000, s26;
	s24 =	sadd.s32 @!p1 s23, s24  }
0x33: {  	[tilespmem:s26], [sflag:$0x1] =	stream.strided.gather @!p1 [hbm4b:s24+s28], $0x1000, s29, s28, $0x38;
	[tilespmem:$0x10100] =	vst v63  }
0x34: {  	s24 =	sadd.s32 @!p1 s25, s8  }
0x35: {  	s24 =	sadd.s32 @!p1 s27, s24  }
0x36: {  	s30 =	sor.u32 @!p1 $0x1000, s26;
	s24 =	sadd.s32 @!p1 s23, s24  }
0x37: {  	[tilespmem:s30], [sflag:$0x1] =	stream.strided.gather @!p1 [hbm4b:s24+s28], $0x1000, s29, s28, $0x38;
	[tilespmem:$0x10100] =	vst v63  }
0x38: {  	s24 =	sadd.s32 @!p1 s25, s9  }
0x39: {  	s24 =	sadd.s32 @!p1 s27, s24  }
0x3a: {  	s30 =	sor.u32 @!p1 $0x2000, s26;
	s24 =	sadd.s32 @!p1 s23, s24  }
0x3b: {  	[tilespmem:s30], [sflag:$0x1] =	stream.strided.gather @!p1 [hbm4b:s24+s28], $0x1000, s29, s28, $0x38;
	[tilespmem:$0x10100] =	vst v63  }
0x3c: {  	s24 =	sadd.s32 @!p1 s25, s10  }
0x3d: {  	s24 =	sadd.s32 @!p1 s27, s24  }
0x3e: {  	s31 =	sadd.s32 $0xFFFFFFFF, s19;
	s23 =	sadd.s32 @!p1 s23, s24;
	s24 =	sor.u32 @!p1 $0x3000, s26  }
0x3f: {  	[tilespmem:s24], [sflag:$0x1] =	stream.strided.gather @!p1 [hbm4b:s23+s28], $0x1000, s29, s28, $0x38;
	[tilespmem:$0x10100] =	vst v63  }
0x40: {  	p1 =	sge.u32 s31, s7  }
.Ltmp2:
0x41: {  	_ = 	snop;
	(pc) =	sbr.rel @p1 .LBB1_7-.Ltmp2, $1  }
0x42: {  	_ =	sdelay $0x3  }
0x43: {  	s23 =	simm.s32 $0x1;
	s25 =	sand.u32 $0x1, s19  }
0x44: {  	_ =	swait.ge [sflag:s6], $0x4000;
	s23 =	simm.s32 @!p0 $0x0;
	s26 =	smul.u32 $0x10200, s25  }
0x45: {  	[sflag:s6] =	ssyncset.done $0x0;
	s24 =	smul.u32 $0x10200, s23  }
0x46: {  	s23 =	sshll.u32 s23, $0xE;
	[sflag:s6] =	ssyncadd.s32 $0xFFFFC000  }
0x47: {  	s25 =	sor.u32 $0x10, s23;
	s31 =	sshrl.u32 s26, $0x2;
	s24 =	sshrl.u32 s24, $0x2  }
0x48: {  	s26 =	simm.s32 $0x0;
	s23 =	sor.u32 $0x8000, s31;
	s24 =	sor.u32 $0x8000, s24  }
.LBB1_3:
0x49: {  	v1 =	vld [tilespmem:s25+$0x0]  }
0x4a: {  	v0 =	vld [tilespmem:s25+$0xFFFFFFF0];
	_ =	sdelay $0x2  }
0x4b: {  	s29 =	sadd.s32 $0x0, s24  }
0x4c: {  	s27 =	simm.s32 $0x4;
	s28 =	sadd.s32 $0x20, s25;
	[tilespmem:s29+$0x2040 ss:$0x204] =	vst.msk $0xffff, v1  }
.LBB1_4:
0x4d: {  	v1 =	vld [tilespmem:s28+$0x0];
	p1 =	sne.s32 s27, $0x1FC;
	[tilespmem:s29+$0x0 ss:$0x204] =	vst.msk $0xffff, v0;
	s29 =	smov.u32 s27;
	s27 =	sadd.s32 $0x4, s27  }
.Ltmp3:
0x4e: {  	v0 =	vld [tilespmem:s28+$0xFFFFFFF0];
	(pc) =	sbr.rel @p1 .LBB1_4-.Ltmp3, $4  }
0x4f: {  	_ = 	snop  }
0x50: {  	s29 =	sshra.s32 s29, $0x2  }
0x51: {  	s29 =	sadd.s32 s29, s24  }
0x52: {  	s28 =	sadd.s32 $0x20, s28;
	[tilespmem:s29+$0x2040 ss:$0x204] =	vst.msk $0xffff, v1  }
0x53: {  	s26 =	sadd.s32 $0x1, s26  }
0x54: {  	p1 =	sne.s32 s26, $0x4  }
.Ltmp4:
0x55: {  	_ = 	snop;
	(pc) =	sbr.rel @p1 .LBB1_3-.Ltmp4, $2  }
0x56: {  	_ =	sdelay $0x2  }
0x57: {  	[tilespmem:s29+$0x0 ss:$0x204] =	vst.msk $0xffff, v0;
	s24 =	sadd.s32 $0x81, s24;
	s25 =	sadd.s32 $0x1000, s25  }
0x58: {  	s24 =	sshll.u32 s15, $0x8;
	s25 =	sshll.u32 s14, $0x3  }
0x59: {  	s26 =	sshll.u32 s15, $0x7;
	p1 =	sgt.s32 s15, $0x3C;
	s27 =	sshra.s32 s15, $0x1F  }
0x5a: {  	p2 =	sgt.s32 s13, $0x12B;
	s28 =	sshra.s32 s14, $0x1F;
	s31 =	sshra.s32 s13, $0x1F  }
0x5b: {  	s24 =	sand.u32 $0x3800, s24;
	s25 =	sand.u32 $0x3C00, s25;
	s30 =	sand.u32 $0x300, s26  }
0x5c: {  	s27 =	sand.u32 s27, s15;
	s24 =	sadd.s32 s24, s25;
	s25 =	smov.u32 s15  }
0x5d: {  	s28 =	sand.u32 s28, s14;
	s26 =	sand.u32 $0x80, s26;
	s25 =	simm.s32 @!p1 $0x3C  }
0x5e: {  	p1 =	sgt.s32 s14, $0x80;
	s25 =	ssub.s32 s25, s27;
	s27 =	smov.u32 s14  }
0x5f: {  	s24 =	sor.u32 s30, s24;
	s29 =	sadd.s32 $0xFFFFFFC4, s25;
	s27 =	simm.s32 @!p1 $0x80  }
0x60: {  	s25 =	ssub.s32 $0x40, s25;
	p1 =	sgt.s32 s29, $0x3;
	s29 =	smov.u32 s13  }
0x61: {  	s27 =	ssub.s32 s27, s28;
	s28 =	sand.u32 s31, s13;
	s29 =	simm.s32 @!p2 $0x12B  }
0x62: {  	s25 =	simm.s32 @p1 $0x0;
	s30 =	sadd.s32 $0xFFFFFF80, s27;
	s28 =	ssub.s32 s29, s28  }
0x63: {  	s27 =	ssub.s32 $0x100, s27;
	p1 =	sgt.s32 s30, $0x7F;
	s31 =	ssub.s32 $0x12C, s28  }
0x64: {  	s24 =	sshrl.u32 s24, $0x3;
	s27 =	simm.s32 @p1 $0x0;
	s29 =	smul.u32 $0x12, s31  }
0x65: {  	s30 =	sand.u32 $0x78, s14;
	s28 =	sadd.s32 $0xFFFFFED5, s28;
	s25 =	smul.u32 s25, s27  }
0x66: {  	s26 =	sor.u32 s30, s26;
	p1 =	sgt.s32 s28, $0x0;
	s31 =	smul.u32 $0x9000, s13  }
.Ltmp5:
0x67: {  	s26 =	sshrl.u32 s26, $0x3;
	s29 =	simm.s32 @p1 $0x0;
	(pc) =	sbr.rel .LBB1_7-.Ltmp5, $4  }
0x68: {  	s27 =	sadd.s32 s4, s31;
	s25 =	smul.u32 s29, s25;
	s29 =	sand.u32 $0x7, s14  }
0x69: {  	s24 =	sand.u32 $0x7E0, s24;
	s26 =	sadd.s32 s26, s27;
	s30 =	sshll.u32 s29, $0x12  }
0x6a: {  	s24 =	sadd.s32 s24, s26;
	s25 =	sand.u32 $0x3FFFFFFE, s25;
	s31 =	sor.u32 $0x200, s30  }
0x6b: {  	[hbm4b:s24+s31] =	stream.strided.scatter [tilespmem:s23], [sflag:$0x2], s25, s12, s31, $0x20;
	[tilespmem:$0x10100] =	vst v63  }
.LBB1_8:
0x6c: {  	_ =	sfence.sel $0x180000  }
0x6d: {  	s1 =	simm.s32 $0x1;
	[bflag:$0x0] =	sbarrier.arrive $0xFFFF  }
0x6e: {  	s31 =	simm.s32 $0x2;
	[sflag:s1] =	ssyncpa.u1 $0x1  }
0x6f: {  	[sflag:s31] =	ssyncpa.u1 $0x1  }
0x70: {  	p0 =	sne.s32 s0, $0x0;
	_ =	strace $0x9000004A  }
0x71: {  	s0 =	sadd.s32 @!p0 $0x100000, s3;
	[bflag:$0x2] =	sbarrier.arrive $0xFFFF  }
0x72: {  	[sflag:s0] =	ssyncadd.tile.s32 @!p0 $0x1;
	_ =	shalt  }
.Lfunc_end1:
_tile_overlayer_lowered:
.L_overlay_start_2:
0x73: {  	(tag) =	ssettag $0x2  }
0x74: {  	s0 =	rddreg [dreg:$0x0];
	s2 =	stileid.u32  }
0x75: {  	s1 =	rddreg [dreg:$0x1];
	p0 =	sne.s32 s2, $0x0  }
0x76: {  	s3 =	rddreg [dreg:$0x2];
	[bflag:$0x3] =	sbarrier.arrive $0xFFFF;
	s2 =	simm.s32 @!p0 $0x1C01  }
0x77: {  	[timem:s3], [sflag:s2] =	dma.local @!p0 [hbm:s0], s1  }
0x78: {  	s0 =	simm.s32 @!p0 $0x1  }
0x79: {  	_ =	swait.ge @!p0 [sflag:s0], s1  }
0x7a: {  	s1 =	ssub.s32 @!p0 $0x0, s1;
	[sflag:s0] =	ssyncset.done @!p0 $0x0  }
0x7b: {  	[sflag:s0] =	ssyncadd.s32 @!p0 s1  }
0x7c: {  	[bflag:$0x3] =	sbarrier.arrive $0xFFFF  }
0x7d: {  	_ =	shalt  }

</sc_bundles>
